<compile_context>
chip_gen: v7x
topology: tpu7x:2x2x1
jax: 0.10.2.dev20260603
libtpu: 0.0.44.dev20260713+nightly
codegen_flags: <defaults>
</compile_context>

<pallas_src>
import functools

import jax
import jax.numpy as jnp
from jax import lax
from jax.experimental import pallas as pl
from jax.experimental.pallas import tpu as pltpu
from jax.experimental.pallas import tpu_sc as plsc

_NC = 2
_NS = 16
_NW = _NC * _NS
_L = 16
_CPT = 16


def _make_sc_kernel(batch, size, hp):
    kpb = batch // _L
    mesh = plsc.VectorSubcoreMesh(core_axis_name="c", subcore_axis_name="s",
                                  num_cores=1)

    @functools.partial(
        pl.kernel,
        out_type=(
            jax.ShapeDtypeStruct((hp, batch), jnp.float32),
            jax.ShapeDtypeStruct((hp, batch), jnp.float32),
        ),
        mesh=mesh,
        scratch_types=[
            pltpu.VMEM((_CPT,), jnp.int32),
            pltpu.VMEM((_CPT, batch), jnp.float32),
            pltpu.VMEM((_CPT, batch), jnp.float32),
            pltpu.VMEM((_CPT, batch), jnp.float32),
            pltpu.VMEM((_CPT, batch), jnp.float32),
            pltpu.SemaphoreType.DMA,
            pltpu.SemaphoreType.DMA,
        ],
    )
    def gather_sigmoid(wt0, wt1, idx, o0, o1, idx_v, g0, g1, ob0, ob1, sem0, sem1):
        wid = lax.axis_index("s") + lax.axis_index("c") * _NS
        j0 = wid * _CPT

        @pl.when(j0 < hp)
        def _active():
            pltpu.sync_copy(idx.at[pl.ds(j0, _CPT)], idx_v)
            pltpu.async_copy(wt0.at[idx_v], g0, sem0)
            pltpu.async_copy(wt1.at[idx_v], g1, sem1)

            def _act(g, ob):
                @pl.loop(0, kpb)
                def _(k):
                    s = pl.ds(k * _L, _L)
                    for c in range(_CPT):
                        ob[c, s] = 1.0 / (1.0 + jnp.exp(-2.0 * g[c, s]))

            pltpu.make_async_copy(wt0.at[idx_v], g0, sem0).wait()
            _act(g0, ob0)
            pltpu.make_async_copy(wt1.at[idx_v], g1, sem1).wait()
            pltpu.sync_copy(ob0, o0.at[pl.ds(j0, _CPT), :])
            _act(g1, ob1)
            pltpu.sync_copy(ob1, o1.at[pl.ds(j0, _CPT), :])

    return gather_sigmoid


def kernel(W0, W1, idx):
    batch, size = W0.shape
    hist = idx.shape[0]
    hp = ((hist + _CPT - 1) // _CPT) * _CPT
    idx32 = idx.astype(jnp.int32)
    if hp != hist:
        idx32 = jnp.concatenate([idx32, jnp.zeros((hp - hist,), jnp.int32)])
    sc = _make_sc_kernel(batch, size, hp)
    o0, o1 = sc(W0.T, W1.T, idx32)
    o0 = o0[:hist].T[..., None]
    o1 = o1[:hist].T[..., None]
    return (o0, o1)

# --- scband reference (transcript-rebuilt; emitter-appended) ---
"""Pipeline reference for scband-piembedding-69432441307663 (READ-ONLY COPY).

The authoritative reference and input builder live on the scoring server;
editing this copy changes nothing except your own understanding.
"""

import jax, jax.numpy as jnp
import numpy as np

BATCH = 1024
SIZES = [50000, 50000]
HIST = 200


def setup_inputs(seed: int = 0) -> dict:
    key = jax.random.key(seed)
    k0, k1, k2 = jax.random.split(key, 3)
    # learned parameters: one [batch_size, size] table per input name
    W0 = jax.random.normal(k0, (BATCH, SIZES[0]), dtype=jnp.float32)
    W1 = jax.random.normal(k1, (BATCH, SIZES[1]), dtype=jnp.float32)
    idx = jax.random.randint(k2, (HIST,), 0, min(SIZES), dtype=jnp.int64)
    return {"W0": W0, "W1": W1, "idx": idx}


def reference(W0, W1, idx):
    # Faithful translation of PIEmbedding.forward.
    # NOTE: in the original torch code, `param[:, idx]` with a tensor index
    # creates a COPY, so `param[:, idx].data.clamp_(-3.5, 3.5)` clamps the
    # discarded copy and has NO effect on the parameter or the output.
    # The effective computation is sigmoid(2 * gather(param, idx)) per param.
    outputs = []
    for W in (W0, W1):
        gathered = jnp.take(W, idx, axis=1)            # [batch, len(idx)]
        out = jax.nn.sigmoid(2.0 * gathered[..., None])  # [batch, len(idx), 1]
        outputs.append(out)
    return tuple(outputs)

if __name__ == "__main__":
    import jax
    _d = setup_inputs()
    print(jax.jit(kernel)(*tuple(_d.values())))

</pallas_src>

<mosaic_0001>
#map = affine_map<(d0, d1) -> (0, 0)>
#map1 = affine_map<(d0, d1) -> (0)>
module attributes {stable_mosaic.version = 14 : i64} {
  func.func @gather_sigmoid(%arg0: i32, %arg1: i32, %arg2: memref<50000x1024xf32, #tpu.memory_space<hbm>>, %arg3: memref<50000x1024xf32, #tpu.memory_space<hbm>>, %arg4: memref<208xi32, #tpu.memory_space<hbm>>, %arg5: memref<208x1024xf32, #tpu.memory_space<hbm>>, %arg6: memref<208x1024xf32, #tpu.memory_space<hbm>>, %arg7: memref<16xi32, #tpu.memory_space<vmem>>, %arg8: memref<16x1024xf32, #tpu.memory_space<vmem>>, %arg9: memref<16x1024xf32, #tpu.memory_space<vmem>>, %arg10: memref<16x1024xf32, #tpu.memory_space<vmem>>, %arg11: memref<16x1024xf32, #tpu.memory_space<vmem>>, %arg12: memref<!tpu.dma_semaphore, #tpu.memory_space<semaphore_mem>>, %arg13: memref<!tpu.dma_semaphore, #tpu.memory_space<semaphore_mem>>) attributes {dimension_semantics = [#tpu.dimension_semantics<core_parallel>, #tpu.dimension_semantics<subcore_parallel>], iteration_bounds = array<i64: 1, 16>, scalar_prefetch = 0 : i64, scratch_operands = 7 : i64, tpu.core_type = #tpu.core_type<sc_vector_subcore>, window_params = [{transform_indices = #map}, {transform_indices = #map}, {transform_indices = #map1}, {transform_indices = #map}, {transform_indices = #map}]} {
    %mul3A = arith.constant 16 : i32
    %mul3A_0 = arith.muli %arg0, %mul3A : i32
    %add3A = arith.addi %arg1, %mul3A_0 : i32
    %mul3A_1 = arith.constant 16 : i32
    %mul3A_2 = arith.muli %add3A, %mul3A_1 : i32
    %lt3A = arith.constant 208 : i32
    %lt3A_3 = arith.cmpi slt, %mul3A_2, %lt3A : i32
    %convert_element_type3A = arith.extui %lt3A_3 : i1 to i32
    %cond3A = arith.constant 0 : i32
    %cond3A_4 = arith.cmpi ne, %convert_element_type3A, %cond3A : i32
    scf.if %cond3A_4 {
      "tpu.region"() ({
        %run_scoped3A = tpu.sem_alloc : memref<!tpu.dma_semaphore, #tpu.memory_space<semaphore_mem>>
        %dma_start3A_24 = tpu.memref_slice %arg4[%mul3A_2] : memref<208xi32, #tpu.memory_space<hbm>> -> memref<16xi32, #tpu.memory_space<hbm>>
        %dma_start3A_25 = tpu.memref_slice %arg4[%mul3A_2] : memref<208xi32, #tpu.memory_space<hbm>> -> memref<16xi32, #tpu.memory_space<hbm>>
        tpu.enqueue_dma source(%dma_start3A_25 : memref<16xi32, #tpu.memory_space<hbm>>) target(%arg7 : memref<16xi32, #tpu.memory_space<vmem>>) target_semaphore(%run_scoped3A : memref<!tpu.dma_semaphore, #tpu.memory_space<semaphore_mem>>)
        %dma_wait3A_26 = tpu.memref_slice %arg4[%mul3A_2] : memref<208xi32, #tpu.memory_space<hbm>> -> memref<16xi32, #tpu.memory_space<hbm>>
        %dma_wait3A_27 = tpu.memref_slice %arg4[%mul3A_2] : memref<208xi32, #tpu.memory_space<hbm>> -> memref<16xi32, #tpu.memory_space<hbm>>
        tpu.wait_dma2 semaphore(%run_scoped3A : memref<!tpu.dma_semaphore, #tpu.memory_space<semaphore_mem>>) src(%dma_wait3A_27 : memref<16xi32, #tpu.memory_space<hbm>>) dst(%arg7 : memref<16xi32, #tpu.memory_space<vmem>>)
        tpu.yield
      }) : () -> ()
      %dma_start3A = arith.constant 0 : i32
      %dma_start3A_5 = arith.constant 0 : i32
      %dma_start3A_6 = tpu.memref_slice %arg2[%dma_start3A, %dma_start3A_5] : memref<50000x1024xf32, #tpu.memory_space<hbm>> -> memref<50000x1024xf32, #tpu.memory_space<hbm>>
      tpu.enqueue_indirect_dma source(%dma_start3A_6 : memref<50000x1024xf32, #tpu.memory_space<hbm>>) target(%arg8 : memref<16x1024xf32, #tpu.memory_space<vmem>>) offsets(%arg7 : memref<16xi32, #tpu.memory_space<vmem>>) semaphore(%arg12 : memref<!tpu.dma_semaphore, #tpu.memory_space<semaphore_mem>>)
      %dma_start3A_7 = arith.constant 0 : i32
      %dma_start3A_8 = arith.constant 0 : i32
      %dma_start3A_9 = tpu.memref_slice %arg3[%dma_start3A_7, %dma_start3A_8] : memref<50000x1024xf32, #tpu.memory_space<hbm>> -> memref<50000x1024xf32, #tpu.memory_space<hbm>>
      tpu.enqueue_indirect_dma source(%dma_start3A_9 : memref<50000x1024xf32, #tpu.memory_space<hbm>>) target(%arg9 : memref<16x1024xf32, #tpu.memory_space<vmem>>) offsets(%arg7 : memref<16xi32, #tpu.memory_space<vmem>>) semaphore(%arg13 : memref<!tpu.dma_semaphore, #tpu.memory_space<semaphore_mem>>)
      %dma_wait3A = arith.constant 0 : i32
      %dma_wait3A_10 = arith.constant 0 : i32
      %dma_wait3A_11 = tpu.memref_slice %arg2[%dma_wait3A, %dma_wait3A_10] : memref<50000x1024xf32, #tpu.memory_space<hbm>> -> memref<50000x1024xf32, #tpu.memory_space<hbm>>
      tpu.wait_indirect_dma semaphore(%arg12 : memref<!tpu.dma_semaphore, #tpu.memory_space<semaphore_mem>>) src(%dma_wait3A_11 : memref<50000x1024xf32, #tpu.memory_space<hbm>>) dst(%arg8 : memref<16x1024xf32, #tpu.memory_space<vmem>>)
      %scan3A = arith.constant 0 : i32
      %scan3A_12 = arith.constant 64 : i32
      %scan3A_13 = arith.addi %scan3A, %scan3A_12 : i32
      %scan3A_14 = arith.constant 1 : i32
      scf.for %scan3A_24 = %scan3A to %scan3A_13 step %scan3A_14  : i32 {
        %mul3A_25 = arith.constant 1 : i32
        %mul3A_26 = arith.muli %scan3A_24, %mul3A_25 : i32
        %add3A_27 = arith.constant 0 : i32
        %add3A_28 = arith.addi %add3A_27, %mul3A_26 : i32
        %mul3A_29 = arith.constant 16 : i32
        %mul3A_30 = arith.muli %add3A_28, %mul3A_29 : i32
        %get3A = arith.constant 0 : i32
        %get3A_31 = arith.index_cast %get3A : i32 to index
        %get3A_32 = arith.index_cast %mul3A_30 : i32 to index
        %get3A_33 = tpu.vector_load %arg8[%get3A_31, %get3A_32] {strides = array<i32>} : memref<16x1024xf32, #tpu.memory_space<vmem>>, vector<1x16xf32>,
        %get3A_34 = vector.shape_cast %get3A_33 : vector<1x16xf32> to vector<16xf32>
        %mul3A_35 = arith.constant -2.000000e+00 : f32
        %mul3A_36 = vector.broadcast %mul3A_35 : f32 to vector<16xf32>
        %mul3A_37 = arith.mulf %mul3A_36, %get3A_34 : vector<16xf32>
        %exp3A = math.exp %mul3A_37 : vector<16xf32>
        %add3A_38 = arith.constant 1.000000e+00 : f32
        %add3A_39 = vector.broadcast %add3A_38 : f32 to vector<16xf32>
        %add3A_40 = arith.addf %add3A_39, %exp3A : vector<16xf32>
        %div3A = arith.constant 1.000000e+00 : f32
        %div3A_41 = vector.broadcast %div3A : f32 to vector<16xf32>
        %div3A_42 = arith.divf %div3A_41, %add3A_40 : vector<16xf32>
        %swap3A = arith.constant 0 : i32
        %swap3A_43 = arith.index_cast %swap3A : i32 to index
        %swap3A_44 = arith.index_cast %mul3A_30 : i32 to index
        %swap3A_45 = tpu.vector_load %arg10[%swap3A_43, %swap3A_44] {strides = array<i32>} : memref<16x1024xf32, #tpu.memory_space<vmem>>, vector<1x16xf32>,
        %swap3A_46 = vector.shape_cast %swap3A_45 : vector<1x16xf32> to vector<16xf32>
        %swap3A_47 = vector.shape_cast %div3A_42 : vector<16xf32> to vector<1x16xf32>
        tpu.vector_store %arg10[%swap3A_43, %swap3A_44], %swap3A_47 {strides = array<i32>} : memref<16x1024xf32, #tpu.memory_space<vmem>>, vector<1x16xf32>,
        %get3A_48 = arith.constant 1 : i32
        %get3A_49 = arith.index_cast %get3A_48 : i32 to index
        %get3A_50 = arith.index_cast %mul3A_30 : i32 to index
        %get3A_51 = tpu.vector_load %arg8[%get3A_49, %get3A_50] {strides = array<i32>} : memref<16x1024xf32, #tpu.memory_space<vmem>>, vector<1x16xf32>,
        %get3A_52 = vector.shape_cast %get3A_51 : vector<1x16xf32> to vector<16xf32>
        %mul3A_53 = arith.constant -2.000000e+00 : f32
        %mul3A_54 = vector.broadcast %mul3A_53 : f32 to vector<16xf32>
        %mul3A_55 = arith.mulf %mul3A_54, %get3A_52 : vector<16xf32>
        %exp3A_56 = math.exp %mul3A_55 : vector<16xf32>
        %add3A_57 = arith.constant 1.000000e+00 : f32
        %add3A_58 = vector.broadcast %add3A_57 : f32 to vector<16xf32>
        %add3A_59 = arith.addf %add3A_58, %exp3A_56 : vector<16xf32>
        %div3A_60 = arith.constant 1.000000e+00 : f32
        %div3A_61 = vector.broadcast %div3A_60 : f32 to vector<16xf32>
        %div3A_62 = arith.divf %div3A_61, %add3A_59 : vector<16xf32>
        %swap3A_63 = arith.constant 1 : i32
        %swap3A_64 = arith.index_cast %swap3A_63 : i32 to index
        %swap3A_65 = arith.index_cast %mul3A_30 : i32 to index
        %swap3A_66 = tpu.vector_load %arg10[%swap3A_64, %swap3A_65] {strides = array<i32>} : memref<16x1024xf32, #tpu.memory_space<vmem>>, vector<1x16xf32>,
        %swap3A_67 = vector.shape_cast %swap3A_66 : vector<1x16xf32> to vector<16xf32>
        %swap3A_68 = vector.shape_cast %div3A_62 : vector<16xf32> to vector<1x16xf32>
        tpu.vector_store %arg10[%swap3A_64, %swap3A_65], %swap3A_68 {strides = array<i32>} : memref<16x1024xf32, #tpu.memory_space<vmem>>, vector<1x16xf32>,
        %get3A_69 = arith.constant 2 : i32
        %get3A_70 = arith.index_cast %get3A_69 : i32 to index
        %get3A_71 = arith.index_cast %mul3A_30 : i32 to index
        %get3A_72 = tpu.vector_load %arg8[%get3A_70, %get3A_71] {strides = array<i32>} : memref<16x1024xf32, #tpu.memory_space<vmem>>, vector<1x16xf32>,
        %get3A_73 = vector.shape_cast %get3A_72 : vector<1x16xf32> to vector<16xf32>
        %mul3A_74 = arith.constant -2.000000e+00 : f32
        %mul3A_75 = vector.broadcast %mul3A_74 : f32 to vector<16xf32>
        %mul3A_76 = arith.mulf %mul3A_75, %get3A_73 : vector<16xf32>
        %exp3A_77 = math.exp %mul3A_76 : vector<16xf32>
        %add3A_78 = arith.constant 1.000000e+00 : f32
        %add3A_79 = vector.broadcast %add3A_78 : f32 to vector<16xf32>
        %add3A_80 = arith.addf %add3A_79, %exp3A_77 : vector<16xf32>
        %div3A_81 = arith.constant 1.000000e+00 : f32
        %div3A_82 = vector.broadcast %div3A_81 : f32 to vector<16xf32>
        %div3A_83 = arith.divf %div3A_82, %add3A_80 : vector<16xf32>
        %swap3A_84 = arith.constant 2 : i32
        %swap3A_85 = arith.index_cast %swap3A_84 : i32 to index
        %swap3A_86 = arith.index_cast %mul3A_30 : i32 to index
        %swap3A_87 = tpu.vector_load %arg10[%swap3A_85, %swap3A_86] {strides = array<i32>} : memref<16x1024xf32, #tpu.memory_space<vmem>>, vector<1x16xf32>,
        %swap3A_88 = vector.shape_cast %swap3A_87 : vector<1x16xf32> to vector<16xf32>
        %swap3A_89 = vector.shape_cast %div3A_83 : vector<16xf32> to vector<1x16xf32>
        tpu.vector_store %arg10[%swap3A_85, %swap3A_86], %swap3A_89 {strides = array<i32>} : memref<16x1024xf32, #tpu.memory_space<vmem>>, vector<1x16xf32>,
        %get3A_90 = arith.constant 3 : i32
        %get3A_91 = arith.index_cast %get3A_90 : i32 to index
        %get3A_92 = arith.index_cast %mul3A_30 : i32 to index
        %get3A_93 = tpu.vector_load %arg8[%get3A_91, %get3A_92] {strides = array<i32>} : memref<16x1024xf32, #tpu.memory_space<vmem>>, vector<1x16xf32>,
        %get3A_94 = vector.shape_cast %get3A_93 : vector<1x16xf32> to vector<16xf32>
        %mul3A_95 = arith.constant -2.000000e+00 : f32
        %mul3A_96 = vector.broadcast %mul3A_95 : f32 to vector<16xf32>
        %mul3A_97 = arith.mulf %mul3A_96, %get3A_94 : vector<16xf32>
        %exp3A_98 = math.exp %mul3A_97 : vector<16xf32>
        %add3A_99 = arith.constant 1.000000e+00 : f32
        %add3A_100 = vector.broadcast %add3A_99 : f32 to vector<16xf32>
        %add3A_101 = arith.addf %add3A_100, %exp3A_98 : vector<16xf32>
        %div3A_102 = arith.constant 1.000000e+00 : f32
        %div3A_103 = vector.broadcast %div3A_102 : f32 to vector<16xf32>
        %div3A_104 = arith.divf %div3A_103, %add3A_101 : vector<16xf32>
        %swap3A_105 = arith.constant 3 : i32
        %swap3A_106 = arith.index_cast %swap3A_105 : i32 to index
        %swap3A_107 = arith.index_cast %mul3A_30 : i32 to index
        %swap3A_108 = tpu.vector_load %arg10[%swap3A_106, %swap3A_107] {strides = array<i32>} : memref<16x1024xf32, #tpu.memory_space<vmem>>, vector<1x16xf32>,
        %swap3A_109 = vector.shape_cast %swap3A_108 : vector<1x16xf32> to vector<16xf32>
        %swap3A_110 = vector.shape_cast %div3A_104 : vector<16xf32> to vector<1x16xf32>
        tpu.vector_store %arg10[%swap3A_106, %swap3A_107], %swap3A_110 {strides = array<i32>} : memref<16x1024xf32, #tpu.memory_space<vmem>>, vector<1x16xf32>,
        %get3A_111 = arith.constant 4 : i32
        %get3A_112 = arith.index_cast %get3A_111 : i32 to index
        %get3A_113 = arith.index_cast %mul3A_30 : i32 to index
        %get3A_114 = tpu.vector_load %arg8[%get3A_112, %get3A_113] {strides = array<i32>} : memref<16x1024xf32, #tpu.memory_space<vmem>>, vector<1x16xf32>,
        %get3A_115 = vector.shape_cast %get3A_114 : vector<1x16xf32> to vector<16xf32>
        %mul3A_116 = arith.constant -2.000000e+00 : f32
        %mul3A_117 = vector.broadcast %mul3A_116 : f32 to vector<16xf32>
        %mul3A_118 = arith.mulf %mul3A_117, %get3A_115 : vector<16xf32>
        %exp3A_119 = math.exp %mul3A_118 : vector<16xf32>
        %add3A_120 = arith.constant 1.000000e+00 : f32
        %add3A_121 = vector.broadcast %add3A_120 : f32 to vector<16xf32>
        %add3A_122 = arith.addf %add3A_121, %exp3A_119 : vector<16xf32>
        %div3A_123 = arith.constant 1.000000e+00 : f32
        %div3A_124 = vector.broadcast %div3A_123 : f32 to vector<16xf32>
        %div3A_125 = arith.divf %div3A_124, %add3A_122 : vector<16xf32>
        %swap3A_126 = arith.constant 4 : i32
        %swap3A_127 = arith.index_cast %swap3A_126 : i32 to index
        %swap3A_128 = arith.index_cast %mul3A_30 : i32 to index
        %swap3A_129 = tpu.vector_load %arg10[%swap3A_127, %swap3A_128] {strides = array<i32>} : memref<16x1024xf32, #tpu.memory_space<vmem>>, vector<1x16xf32>,
        %swap3A_130 = vector.shape_cast %swap3A_129 : vector<1x16xf32> to vector<16xf32>
        %swap3A_131 = vector.shape_cast %div3A_125 : vector<16xf32> to vector<1x16xf32>
        tpu.vector_store %arg10[%swap3A_127, %swap3A_128], %swap3A_131 {strides = array<i32>} : memref<16x1024xf32, #tpu.memory_space<vmem>>, vector<1x16xf32>,
        %get3A_132 = arith.constant 5 : i32
        %get3A_133 = arith.index_cast %get3A_132 : i32 to index
        %get3A_134 = arith.index_cast %mul3A_30 : i32 to index
        %get3A_135 = tpu.vector_load %arg8[%get3A_133, %get3A_134] {strides = array<i32>} : memref<16x1024xf32, #tpu.memory_space<vmem>>, vector<1x16xf32>,
        %get3A_136 = vector.shape_cast %get3A_135 : vector<1x16xf32> to vector<16xf32>
        %mul3A_137 = arith.constant -2.000000e+00 : f32
        %mul3A_138 = vector.broadcast %mul3A_137 : f32 to vector<16xf32>
        %mul3A_139 = arith.mulf %mul3A_138, %get3A_136 : vector<16xf32>
        %exp3A_140 = math.exp %mul3A_139 : vector<16xf32>
        %add3A_141 = arith.constant 1.000000e+00 : f32
        %add3A_142 = vector.broadcast %add3A_141 : f32 to vector<16xf32>
        %add3A_143 = arith.addf %add3A_142, %exp3A_140 : vector<16xf32>
        %div3A_144 = arith.constant 1.000000e+00 : f32
        %div3A_145 = vector.broadcast %div3A_144 : f32 to vector<16xf32>
        %div3A_146 = arith.divf %div3A_145, %add3A_143 : vector<16xf32>
        %swap3A_147 = arith.constant 5 : i32
        %swap3A_148 = arith.index_cast %swap3A_147 : i32 to index
        %swap3A_149 = arith.index_cast %mul3A_30 : i32 to index
        %swap3A_150 = tpu.vector_load %arg10[%swap3A_148, %swap3A_149] {strides = array<i32>} : memref<16x1024xf32, #tpu.memory_space<vmem>>, vector<1x16xf32>,
        %swap3A_151 = vector.shape_cast %swap3A_150 : vector<1x16xf32> to vector<16xf32>
        %swap3A_152 = vector.shape_cast %div3A_146 : vector<16xf32> to vector<1x16xf32>
        tpu.vector_store %arg10[%swap3A_148, %swap3A_149], %swap3A_152 {strides = array<i32>} : memref<16x1024xf32, #tpu.memory_space<vmem>>, vector<1x16xf32>,
        %get3A_153 = arith.constant 6 : i32
        %get3A_154 = arith.index_cast %get3A_153 : i32 to index
        %get3A_155 = arith.index_cast %mul3A_30 : i32 to index
        %get3A_156 = tpu.vector_load %arg8[%get3A_154, %get3A_155] {strides = array<i32>} : memref<16x1024xf32, #tpu.memory_space<vmem>>, vector<1x16xf32>,
        %get3A_157 = vector.shape_cast %get3A_156 : vector<1x16xf32> to vector<16xf32>
        %mul3A_158 = arith.constant -2.000000e+00 : f32
        %mul3A_159 = vector.broadcast %mul3A_158 : f32 to vector<16xf32>
        %mul3A_160 = arith.mulf %mul3A_159, %get3A_157 : vector<16xf32>
        %exp3A_161 = math.exp %mul3A_160 : vector<16xf32>
        %add3A_162 = arith.constant 1.000000e+00 : f32
        %add3A_163 = vector.broadcast %add3A_162 : f32 to vector<16xf32>
        %add3A_164 = arith.addf %add3A_163, %exp3A_161 : vector<16xf32>
        %div3A_165 = arith.constant 1.000000e+00 : f32
        %div3A_166 = vector.broadcast %div3A_165 : f32 to vector<16xf32>
        %div3A_167 = arith.divf %div3A_166, %add3A_164 : vector<16xf32>
        %swap3A_168 = arith.constant 6 : i32
        %swap3A_169 = arith.index_cast %swap3A_168 : i32 to index
        %swap3A_170 = arith.index_cast %mul3A_30 : i32 to index
        %swap3A_171 = tpu.vector_load %arg10[%swap3A_169, %swap3A_170] {strides = array<i32>} : memref<16x1024xf32, #tpu.memory_space<vmem>>, vector<1x16xf32>,
        %swap3A_172 = vector.shape_cast %swap3A_171 : vector<1x16xf32> to vector<16xf32>
        %swap3A_173 = vector.shape_cast %div3A_167 : vector<16xf32> to vector<1x16xf32>
        tpu.vector_store %arg10[%swap3A_169, %swap3A_170], %swap3A_173 {strides = array<i32>} : memref<16x1024xf32, #tpu.memory_space<vmem>>, vector<1x16xf32>,
        %get3A_174 = arith.constant 7 : i32
        %get3A_175 = arith.index_cast %get3A_174 : i32 to index
        %get3A_176 = arith.index_cast %mul3A_30 : i32 to index
        %get3A_177 = tpu.vector_load %arg8[%get3A_175, %get3A_176] {strides = array<i32>} : memref<16x1024xf32, #tpu.memory_space<vmem>>, vector<1x16xf32>,
        %get3A_178 = vector.shape_cast %get3A_177 : vector<1x16xf32> to vector<16xf32>
        %mul3A_179 = arith.constant -2.000000e+00 : f32
        %mul3A_180 = vector.broadcast %mul3A_179 : f32 to vector<16xf32>
        %mul3A_181 = arith.mulf %mul3A_180, %get3A_178 : vector<16xf32>
        %exp3A_182 = math.exp %mul3A_181 : vector<16xf32>
        %add3A_183 = arith.constant 1.000000e+00 : f32
        %add3A_184 = vector.broadcast %add3A_183 : f32 to vector<16xf32>
        %add3A_185 = arith.addf %add3A_184, %exp3A_182 : vector<16xf32>
        %div3A_186 = arith.constant 1.000000e+00 : f32
        %div3A_187 = vector.broadcast %div3A_186 : f32 to vector<16xf32>
        %div3A_188 = arith.divf %div3A_187, %add3A_185 : vector<16xf32>
        %swap3A_189 = arith.constant 7 : i32
        %swap3A_190 = arith.index_cast %swap3A_189 : i32 to index
        %swap3A_191 = arith.index_cast %mul3A_30 : i32 to index
        %swap3A_192 = tpu.vector_load %arg10[%swap3A_190, %swap3A_191] {strides = array<i32>} : memref<16x1024xf32, #tpu.memory_space<vmem>>, vector<1x16xf32>,
        %swap3A_193 = vector.shape_cast %swap3A_192 : vector<1x16xf32> to vector<16xf32>
        %swap3A_194 = vector.shape_cast %div3A_188 : vector<16xf32> to vector<1x16xf32>
        tpu.vector_store %arg10[%swap3A_190, %swap3A_191], %swap3A_194 {strides = array<i32>} : memref<16x1024xf32, #tpu.memory_space<vmem>>, vector<1x16xf32>,
        %get3A_195 = arith.constant 8 : i32
        %get3A_196 = arith.index_cast %get3A_195 : i32 to index
        %get3A_197 = arith.index_cast %mul3A_30 : i32 to index
        %get3A_198 = tpu.vector_load %arg8[%get3A_196, %get3A_197] {strides = array<i32>} : memref<16x1024xf32, #tpu.memory_space<vmem>>, vector<1x16xf32>,
        %get3A_199 = vector.shape_cast %get3A_198 : vector<1x16xf32> to vector<16xf32>
        %mul3A_200 = arith.constant -2.000000e+00 : f32
        %mul3A_201 = vector.broadcast %mul3A_200 : f32 to vector<16xf32>
        %mul3A_202 = arith.mulf %mul3A_201, %get3A_199 : vector<16xf32>
        %exp3A_203 = math.exp %mul3A_202 : vector<16xf32>
        %add3A_204 = arith.constant 1.000000e+00 : f32
        %add3A_205 = vector.broadcast %add3A_204 : f32 to vector<16xf32>
        %add3A_206 = arith.addf %add3A_205, %exp3A_203 : vector<16xf32>
        %div3A_207 = arith.constant 1.000000e+00 : f32
        %div3A_208 = vector.broadcast %div3A_207 : f32 to vector<16xf32>
        %div3A_209 = arith.divf %div3A_208, %add3A_206 : vector<16xf32>
        %swap3A_210 = arith.constant 8 : i32
        %swap3A_211 = arith.index_cast %swap3A_210 : i32 to index
        %swap3A_212 = arith.index_cast %mul3A_30 : i32 to index
        %swap3A_213 = tpu.vector_load %arg10[%swap3A_211, %swap3A_212] {strides = array<i32>} : memref<16x1024xf32, #tpu.memory_space<vmem>>, vector<1x16xf32>,
        %swap3A_214 = vector.shape_cast %swap3A_213 : vector<1x16xf32> to vector<16xf32>
        %swap3A_215 = vector.shape_cast %div3A_209 : vector<16xf32> to vector<1x16xf32>
        tpu.vector_store %arg10[%swap3A_211, %swap3A_212], %swap3A_215 {strides = array<i32>} : memref<16x1024xf32, #tpu.memory_space<vmem>>, vector<1x16xf32>,
        %get3A_216 = arith.constant 9 : i32
        %get3A_217 = arith.index_cast %get3A_216 : i32 to index
        %get3A_218 = arith.index_cast %mul3A_30 : i32 to index
        %get3A_219 = tpu.vector_load %arg8[%get3A_217, %get3A_218] {strides = array<i32>} : memref<16x1024xf32, #tpu.memory_space<vmem>>, vector<1x16xf32>,
        %get3A_220 = vector.shape_cast %get3A_219 : vector<1x16xf32> to vector<16xf32>
        %mul3A_221 = arith.constant -2.000000e+00 : f32
        %mul3A_222 = vector.broadcast %mul3A_221 : f32 to vector<16xf32>
        %mul3A_223 = arith.mulf %mul3A_222, %get3A_220 : vector<16xf32>
        %exp3A_224 = math.exp %mul3A_223 : vector<16xf32>
        %add3A_225 = arith.constant 1.000000e+00 : f32
        %add3A_226 = vector.broadcast %add3A_225 : f32 to vector<16xf32>
        %add3A_227 = arith.addf %add3A_226, %exp3A_224 : vector<16xf32>
        %div3A_228 = arith.constant 1.000000e+00 : f32
        %div3A_229 = vector.broadcast %div3A_228 : f32 to vector<16xf32>
        %div3A_230 = arith.divf %div3A_229, %add3A_227 : vector<16xf32>
        %swap3A_231 = arith.constant 9 : i32
        %swap3A_232 = arith.index_cast %swap3A_231 : i32 to index
        %swap3A_233 = arith.index_cast %mul3A_30 : i32 to index
        %swap3A_234 = tpu.vector_load %arg10[%swap3A_232, %swap3A_233] {strides = array<i32>} : memref<16x1024xf32, #tpu.memory_space<vmem>>, vector<1x16xf32>,
        %swap3A_235 = vector.shape_cast %swap3A_234 : vector<1x16xf32> to vector<16xf32>
        %swap3A_236 = vector.shape_cast %div3A_230 : vector<16xf32> to vector<1x16xf32>
        tpu.vector_store %arg10[%swap3A_232, %swap3A_233], %swap3A_236 {strides = array<i32>} : memref<16x1024xf32, #tpu.memory_space<vmem>>, vector<1x16xf32>,
        %get3A_237 = arith.constant 10 : i32
        %get3A_238 = arith.index_cast %get3A_237 : i32 to index
        %get3A_239 = arith.index_cast %mul3A_30 : i32 to index
        %get3A_240 = tpu.vector_load %arg8[%get3A_238, %get3A_239] {strides = array<i32>} : memref<16x1024xf32, #tpu.memory_space<vmem>>, vector<1x16xf32>,
        %get3A_241 = vector.shape_cast %get3A_240 : vector<1x16xf32> to vector<16xf32>
        %mul3A_242 = arith.constant -2.000000e+00 : f32
        %mul3A_243 = vector.broadcast %mul3A_242 : f32 to vector<16xf32>
        %mul3A_244 = arith.mulf %mul3A_243, %get3A_241 : vector<16xf32>
        %exp3A_245 = math.exp %mul3A_244 : vector<16xf32>
        %add3A_246 = arith.constant 1.000000e+00 : f32
        %add3A_247 = vector.broadcast %add3A_246 : f32 to vector<16xf32>
        %add3A_248 = arith.addf %add3A_247, %exp3A_245 : vector<16xf32>
        %div3A_249 = arith.constant 1.000000e+00 : f32
        %div3A_250 = vector.broadcast %div3A_249 : f32 to vector<16xf32>
        %div3A_251 = arith.divf %div3A_250, %add3A_248 : vector<16xf32>
        %swap3A_252 = arith.constant 10 : i32
        %swap3A_253 = arith.index_cast %swap3A_252 : i32 to index
        %swap3A_254 = arith.index_cast %mul3A_30 : i32 to index
        %swap3A_255 = tpu.vector_load %arg10[%swap3A_253, %swap3A_254] {strides = array<i32>} : memref<16x1024xf32, #tpu.memory_space<vmem>>, vector<1x16xf32>,
        %swap3A_256 = vector.shape_cast %swap3A_255 : vector<1x16xf32> to vector<16xf32>
        %swap3A_257 = vector.shape_cast %div3A_251 : vector<16xf32> to vector<1x16xf32>
        tpu.vector_store %arg10[%swap3A_253, %swap3A_254], %swap3A_257 {strides = array<i32>} : memref<16x1024xf32, #tpu.memory_space<vmem>>, vector<1x16xf32>,
        %get3A_258 = arith.constant 11 : i32
        %get3A_259 = arith.index_cast %get3A_258 : i32 to index
        %get3A_260 = arith.index_cast %mul3A_30 : i32 to index
        %get3A_261 = tpu.vector_load %arg8[%get3A_259, %get3A_260] {strides = array<i32>} : memref<16x1024xf32, #tpu.memory_space<vmem>>, vector<1x16xf32>,
        %get3A_262 = vector.shape_cast %get3A_261 : vector<1x16xf32> to vector<16xf32>
        %mul3A_263 = arith.constant -2.000000e+00 : f32
        %mul3A_264 = vector.broadcast %mul3A_263 : f32 to vector<16xf32>
        %mul3A_265 = arith.mulf %mul3A_264, %get3A_262 : vector<16xf32>
        %exp3A_266 = math.exp %mul3A_265 : vector<16xf32>
        %add3A_267 = arith.constant 1.000000e+00 : f32
        %add3A_268 = vector.broadcast %add3A_267 : f32 to vector<16xf32>
        %add3A_269 = arith.addf %add3A_268, %exp3A_266 : vector<16xf32>
        %div3A_270 = arith.constant 1.000000e+00 : f32
        %div3A_271 = vector.broadcast %div3A_270 : f32 to vector<16xf32>
        %div3A_272 = arith.divf %div3A_271, %add3A_269 : vector<16xf32>
        %swap3A_273 = arith.constant 11 : i32
        %swap3A_274 = arith.index_cast %swap3A_273 : i32 to index
        %swap3A_275 = arith.index_cast %mul3A_30 : i32 to index
        %swap3A_276 = tpu.vector_load %arg10[%swap3A_274, %swap3A_275] {strides = array<i32>} : memref<16x1024xf32, #tpu.memory_space<vmem>>, vector<1x16xf32>,
        %swap3A_277 = vector.shape_cast %swap3A_276 : vector<1x16xf32> to vector<16xf32>
        %swap3A_278 = vector.shape_cast %div3A_272 : vector<16xf32> to vector<1x16xf32>
        tpu.vector_store %arg10[%swap3A_274, %swap3A_275], %swap3A_278 {strides = array<i32>} : memref<16x1024xf32, #tpu.memory_space<vmem>>, vector<1x16xf32>,
        %get3A_279 = arith.constant 12 : i32
        %get3A_280 = arith.index_cast %get3A_279 : i32 to index
        %get3A_281 = arith.index_cast %mul3A_30 : i32 to index
        %get3A_282 = tpu.vector_load %arg8[%get3A_280, %get3A_281] {strides = array<i32>} : memref<16x1024xf32, #tpu.memory_space<vmem>>, vector<1x16xf32>,
        %get3A_283 = vector.shape_cast %get3A_282 : vector<1x16xf32> to vector<16xf32>
        %mul3A_284 = arith.constant -2.000000e+00 : f32
        %mul3A_285 = vector.broadcast %mul3A_284 : f32 to vector<16xf32>
        %mul3A_286 = arith.mulf %mul3A_285, %get3A_283 : vector<16xf32>
        %exp3A_287 = math.exp %mul3A_286 : vector<16xf32>
        %add3A_288 = arith.constant 1.000000e+00 : f32
        %add3A_289 = vector.broadcast %add3A_288 : f32 to vector<16xf32>
        %add3A_290 = arith.addf %add3A_289, %exp3A_287 : vector<16xf32>
        %div3A_291 = arith.constant 1.000000e+00 : f32
        %div3A_292 = vector.broadcast %div3A_291 : f32 to vector<16xf32>
        %div3A_293 = arith.divf %div3A_292, %add3A_290 : vector<16xf32>
        %swap3A_294 = arith.constant 12 : i32
        %swap3A_295 = arith.index_cast %swap3A_294 : i32 to index
        %swap3A_296 = arith.index_cast %mul3A_30 : i32 to index
        %swap3A_297 = tpu.vector_load %arg10[%swap3A_295, %swap3A_296] {strides = array<i32>} : memref<16x1024xf32, #tpu.memory_space<vmem>>, vector<1x16xf32>,
        %swap3A_298 = vector.shape_cast %swap3A_297 : vector<1x16xf32> to vector<16xf32>
        %swap3A_299 = vector.shape_cast %div3A_293 : vector<16xf32> to vector<1x16xf32>
        tpu.vector_store %arg10[%swap3A_295, %swap3A_296], %swap3A_299 {strides = array<i32>} : memref<16x1024xf32, #tpu.memory_space<vmem>>, vector<1x16xf32>,
        %get3A_300 = arith.constant 13 : i32
        %get3A_301 = arith.index_cast %get3A_300 : i32 to index
        %get3A_302 = arith.index_cast %mul3A_30 : i32 to index
        %get3A_303 = tpu.vector_load %arg8[%get3A_301, %get3A_302] {strides = array<i32>} : memref<16x1024xf32, #tpu.memory_space<vmem>>, vector<1x16xf32>,
        %get3A_304 = vector.shape_cast %get3A_303 : vector<1x16xf32> to vector<16xf32>
        %mul3A_305 = arith.constant -2.000000e+00 : f32
        %mul3A_306 = vector.broadcast %mul3A_305 : f32 to vector<16xf32>
        %mul3A_307 = arith.mulf %mul3A_306, %get3A_304 : vector<16xf32>
        %exp3A_308 = math.exp %mul3A_307 : vector<16xf32>
        %add3A_309 = arith.constant 1.000000e+00 : f32
        %add3A_310 = vector.broadcast %add3A_309 : f32 to vector<16xf32>
        %add3A_311 = arith.addf %add3A_310, %exp3A_308 : vector<16xf32>
        %div3A_312 = arith.constant 1.000000e+00 : f32
        %div3A_313 = vector.broadcast %div3A_312 : f32 to vector<16xf32>
        %div3A_314 = arith.divf %div3A_313, %add3A_311 : vector<16xf32>
        %swap3A_315 = arith.constant 13 : i32
        %swap3A_316 = arith.index_cast %swap3A_315 : i32 to index
        %swap3A_317 = arith.index_cast %mul3A_30 : i32 to index
        %swap3A_318 = tpu.vector_load %arg10[%swap3A_316, %swap3A_317] {strides = array<i32>} : memref<16x1024xf32, #tpu.memory_space<vmem>>, vector<1x16xf32>,
        %swap3A_319 = vector.shape_cast %swap3A_318 : vector<1x16xf32> to vector<16xf32>
        %swap3A_320 = vector.shape_cast %div3A_314 : vector<16xf32> to vector<1x16xf32>
        tpu.vector_store %arg10[%swap3A_316, %swap3A_317], %swap3A_320 {strides = array<i32>} : memref<16x1024xf32, #tpu.memory_space<vmem>>, vector<1x16xf32>,
        %get3A_321 = arith.constant 14 : i32
        %get3A_322 = arith.index_cast %get3A_321 : i32 to index
        %get3A_323 = arith.index_cast %mul3A_30 : i32 to index
        %get3A_324 = tpu.vector_load %arg8[%get3A_322, %get3A_323] {strides = array<i32>} : memref<16x1024xf32, #tpu.memory_space<vmem>>, vector<1x16xf32>,
        %get3A_325 = vector.shape_cast %get3A_324 : vector<1x16xf32> to vector<16xf32>
        %mul3A_326 = arith.constant -2.000000e+00 : f32
        %mul3A_327 = vector.broadcast %mul3A_326 : f32 to vector<16xf32>
        %mul3A_328 = arith.mulf %mul3A_327, %get3A_325 : vector<16xf32>
        %exp3A_329 = math.exp %mul3A_328 : vector<16xf32>
        %add3A_330 = arith.constant 1.000000e+00 : f32
        %add3A_331 = vector.broadcast %add3A_330 : f32 to vector<16xf32>
        %add3A_332 = arith.addf %add3A_331, %exp3A_329 : vector<16xf32>
        %div3A_333 = arith.constant 1.000000e+00 : f32
        %div3A_334 = vector.broadcast %div3A_333 : f32 to vector<16xf32>
        %div3A_335 = arith.divf %div3A_334, %add3A_332 : vector<16xf32>
        %swap3A_336 = arith.constant 14 : i32
        %swap3A_337 = arith.index_cast %swap3A_336 : i32 to index
        %swap3A_338 = arith.index_cast %mul3A_30 : i32 to index
        %swap3A_339 = tpu.vector_load %arg10[%swap3A_337, %swap3A_338] {strides = array<i32>} : memref<16x1024xf32, #tpu.memory_space<vmem>>, vector<1x16xf32>,
        %swap3A_340 = vector.shape_cast %swap3A_339 : vector<1x16xf32> to vector<16xf32>
        %swap3A_341 = vector.shape_cast %div3A_335 : vector<16xf32> to vector<1x16xf32>
        tpu.vector_store %arg10[%swap3A_337, %swap3A_338], %swap3A_341 {strides = array<i32>} : memref<16x1024xf32, #tpu.memory_space<vmem>>, vector<1x16xf32>,
        %get3A_342 = arith.constant 15 : i32
        %get3A_343 = arith.index_cast %get3A_342 : i32 to index
        %get3A_344 = arith.index_cast %mul3A_30 : i32 to index
        %get3A_345 = tpu.vector_load %arg8[%get3A_343, %get3A_344] {strides = array<i32>} : memref<16x1024xf32, #tpu.memory_space<vmem>>, vector<1x16xf32>,
        %get3A_346 = vector.shape_cast %get3A_345 : vector<1x16xf32> to vector<16xf32>
        %mul3A_347 = arith.constant -2.000000e+00 : f32
        %mul3A_348 = vector.broadcast %mul3A_347 : f32 to vector<16xf32>
        %mul3A_349 = arith.mulf %mul3A_348, %get3A_346 : vector<16xf32>
        %exp3A_350 = math.exp %mul3A_349 : vector<16xf32>
        %add3A_351 = arith.constant 1.000000e+00 : f32
        %add3A_352 = vector.broadcast %add3A_351 : f32 to vector<16xf32>
        %add3A_353 = arith.addf %add3A_352, %exp3A_350 : vector<16xf32>
        %div3A_354 = arith.constant 1.000000e+00 : f32
        %div3A_355 = vector.broadcast %div3A_354 : f32 to vector<16xf32>
        %div3A_356 = arith.divf %div3A_355, %add3A_353 : vector<16xf32>
        %swap3A_357 = arith.constant 15 : i32
        %swap3A_358 = arith.index_cast %swap3A_357 : i32 to index
        %swap3A_359 = arith.index_cast %mul3A_30 : i32 to index
        %swap3A_360 = tpu.vector_load %arg10[%swap3A_358, %swap3A_359] {strides = array<i32>} : memref<16x1024xf32, #tpu.memory_space<vmem>>, vector<1x16xf32>,
        %swap3A_361 = vector.shape_cast %swap3A_360 : vector<1x16xf32> to vector<16xf32>
        %swap3A_362 = vector.shape_cast %div3A_356 : vector<16xf32> to vector<1x16xf32>
        tpu.vector_store %arg10[%swap3A_358, %swap3A_359], %swap3A_362 {strides = array<i32>} : memref<16x1024xf32, #tpu.memory_space<vmem>>, vector<1x16xf32>,
      }
      %scan3A_15 = arith.constant 64 : i32
      %dma_wait3A_16 = arith.constant 0 : i32
      %dma_wait3A_17 = arith.constant 0 : i32
      %dma_wait3A_18 = tpu.memref_slice %arg3[%dma_wait3A_16, %dma_wait3A_17] : memref<50000x1024xf32, #tpu.memory_space<hbm>> -> memref<50000x1024xf32, #tpu.memory_space<hbm>>
      tpu.wait_indirect_dma semaphore(%arg13 : memref<!tpu.dma_semaphore, #tpu.memory_space<semaphore_mem>>) src(%dma_wait3A_18 : memref<50000x1024xf32, #tpu.memory_space<hbm>>) dst(%arg9 : memref<16x1024xf32, #tpu.memory_space<vmem>>)
      "tpu.region"() ({
        %run_scoped3A = tpu.sem_alloc : memref<!tpu.dma_semaphore, #tpu.memory_space<semaphore_mem>>
        %dma_start3A_24 = arith.constant 0 : i32
        %dma_start3A_25 = tpu.memref_slice %arg5[%mul3A_2, %dma_start3A_24] : memref<208x1024xf32, #tpu.memory_space<hbm>> -> memref<16x1024xf32, #tpu.memory_space<hbm>>
        %dma_start3A_26 = arith.constant 0 : i32
        %dma_start3A_27 = tpu.memref_slice %arg5[%mul3A_2, %dma_start3A_26] : memref<208x1024xf32, #tpu.memory_space<hbm>> -> memref<16x1024xf32, #tpu.memory_space<hbm>>
        tpu.enqueue_dma source(%arg10 : memref<16x1024xf32, #tpu.memory_space<vmem>>) target(%dma_start3A_27 : memref<16x1024xf32, #tpu.memory_space<hbm>>) target_semaphore(%run_scoped3A : memref<!tpu.dma_semaphore, #tpu.memory_space<semaphore_mem>>)
        %dma_wait3A_28 = arith.constant 0 : i32
        %dma_wait3A_29 = tpu.memref_slice %arg5[%mul3A_2, %dma_wait3A_28] : memref<208x1024xf32, #tpu.memory_space<hbm>> -> memref<16x1024xf32, #tpu.memory_space<hbm>>
        %dma_wait3A_30 = arith.constant 0 : i32
        %dma_wait3A_31 = tpu.memref_slice %arg5[%mul3A_2, %dma_wait3A_30] : memref<208x1024xf32, #tpu.memory_space<hbm>> -> memref<16x1024xf32, #tpu.memory_space<hbm>>
        tpu.wait_dma2 semaphore(%run_scoped3A : memref<!tpu.dma_semaphore, #tpu.memory_space<semaphore_mem>>) src(%arg10 : memref<16x1024xf32, #tpu.memory_space<vmem>>) dst(%dma_wait3A_31 : memref<16x1024xf32, #tpu.memory_space<hbm>>)
        tpu.yield
      }) : () -> ()
      %scan3A_19 = arith.constant 0 : i32
      %scan3A_20 = arith.constant 64 : i32
      %scan3A_21 = arith.addi %scan3A_19, %scan3A_20 : i32
      %scan3A_22 = arith.constant 1 : i32
      scf.for %scan3A_24 = %scan3A_19 to %scan3A_21 step %scan3A_22  : i32 {
        %mul3A_25 = arith.constant 1 : i32
        %mul3A_26 = arith.muli %scan3A_24, %mul3A_25 : i32
        %add3A_27 = arith.constant 0 : i32
        %add3A_28 = arith.addi %add3A_27, %mul3A_26 : i32
        %mul3A_29 = arith.constant 16 : i32
        %mul3A_30 = arith.muli %add3A_28, %mul3A_29 : i32
        %get3A = arith.constant 0 : i32
        %get3A_31 = arith.index_cast %get3A : i32 to index
        %get3A_32 = arith.index_cast %mul3A_30 : i32 to index
        %get3A_33 = tpu.vector_load %arg9[%get3A_31, %get3A_32] {strides = array<i32>} : memref<16x1024xf32, #tpu.memory_space<vmem>>, vector<1x16xf32>,
        %get3A_34 = vector.shape_cast %get3A_33 : vector<1x16xf32> to vector<16xf32>
        %mul3A_35 = arith.constant -2.000000e+00 : f32
        %mul3A_36 = vector.broadcast %mul3A_35 : f32 to vector<16xf32>
        %mul3A_37 = arith.mulf %mul3A_36, %get3A_34 : vector<16xf32>
        %exp3A = math.exp %mul3A_37 : vector<16xf32>
        %add3A_38 = arith.constant 1.000000e+00 : f32
        %add3A_39 = vector.broadcast %add3A_38 : f32 to vector<16xf32>
        %add3A_40 = arith.addf %add3A_39, %exp3A : vector<16xf32>
        %div3A = arith.constant 1.000000e+00 : f32
        %div3A_41 = vector.broadcast %div3A : f32 to vector<16xf32>
        %div3A_42 = arith.divf %div3A_41, %add3A_40 : vector<16xf32>
        %swap3A = arith.constant 0 : i32
        %swap3A_43 = arith.index_cast %swap3A : i32 to index
        %swap3A_44 = arith.index_cast %mul3A_30 : i32 to index
        %swap3A_45 = tpu.vector_load %arg11[%swap3A_43, %swap3A_44] {strides = array<i32>} : memref<16x1024xf32, #tpu.memory_space<vmem>>, vector<1x16xf32>,
        %swap3A_46 = vector.shape_cast %swap3A_45 : vector<1x16xf32> to vector<16xf32>
        %swap3A_47 = vector.shape_cast %div3A_42 : vector<16xf32> to vector<1x16xf32>
        tpu.vector_store %arg11[%swap3A_43, %swap3A_44], %swap3A_47 {strides = array<i32>} : memref<16x1024xf32, #tpu.memory_space<vmem>>, vector<1x16xf32>,
        %get3A_48 = arith.constant 1 : i32
        %get3A_49 = arith.index_cast %get3A_48 : i32 to index
        %get3A_50 = arith.index_cast %mul3A_30 : i32 to index
        %get3A_51 = tpu.vector_load %arg9[%get3A_49, %get3A_50] {strides = array<i32>} : memref<16x1024xf32, #tpu.memory_space<vmem>>, vector<1x16xf32>,
        %get3A_52 = vector.shape_cast %get3A_51 : vector<1x16xf32> to vector<16xf32>
        %mul3A_53 = arith.constant -2.000000e+00 : f32
        %mul3A_54 = vector.broadcast %mul3A_53 : f32 to vector<16xf32>
        %mul3A_55 = arith.mulf %mul3A_54, %get3A_52 : vector<16xf32>
        %exp3A_56 = math.exp %mul3A_55 : vector<16xf32>
        %add3A_57 = arith.constant 1.000000e+00 : f32
        %add3A_58 = vector.broadcast %add3A_57 : f32 to vector<16xf32>
        %add3A_59 = arith.addf %add3A_58, %exp3A_56 : vector<16xf32>
        %div3A_60 = arith.constant 1.000000e+00 : f32
        %div3A_61 = vector.broadcast %div3A_60 : f32 to vector<16xf32>
        %div3A_62 = arith.divf %div3A_61, %add3A_59 : vector<16xf32>
        %swap3A_63 = arith.constant 1 : i32
        %swap3A_64 = arith.index_cast %swap3A_63 : i32 to index
        %swap3A_65 = arith.index_cast %mul3A_30 : i32 to index
        %swap3A_66 = tpu.vector_load %arg11[%swap3A_64, %swap3A_65] {strides = array<i32>} : memref<16x1024xf32, #tpu.memory_space<vmem>>, vector<1x16xf32>,
        %swap3A_67 = vector.shape_cast %swap3A_66 : vector<1x16xf32> to vector<16xf32>
        %swap3A_68 = vector.shape_cast %div3A_62 : vector<16xf32> to vector<1x16xf32>
        tpu.vector_store %arg11[%swap3A_64, %swap3A_65], %swap3A_68 {strides = array<i32>} : memref<16x1024xf32, #tpu.memory_space<vmem>>, vector<1x16xf32>,
        %get3A_69 = arith.constant 2 : i32
        %get3A_70 = arith.index_cast %get3A_69 : i32 to index
        %get3A_71 = arith.index_cast %mul3A_30 : i32 to index
        %get3A_72 = tpu.vector_load %arg9[%get3A_70, %get3A_71] {strides = array<i32>} : memref<16x1024xf32, #tpu.memory_space<vmem>>, vector<1x16xf32>,
        %get3A_73 = vector.shape_cast %get3A_72 : vector<1x16xf32> to vector<16xf32>
        %mul3A_74 = arith.constant -2.000000e+00 : f32
        %mul3A_75 = vector.broadcast %mul3A_74 : f32 to vector<16xf32>
        %mul3A_76 = arith.mulf %mul3A_75, %get3A_73 : vector<16xf32>
        %exp3A_77 = math.exp %mul3A_76 : vector<16xf32>
        %add3A_78 = arith.constant 1.000000e+00 : f32
        %add3A_79 = vector.broadcast %add3A_78 : f32 to vector<16xf32>
        %add3A_80 = arith.addf %add3A_79, %exp3A_77 : vector<16xf32>
        %div3A_81 = arith.constant 1.000000e+00 : f32
        %div3A_82 = vector.broadcast %div3A_81 : f32 to vector<16xf32>
        %div3A_83 = arith.divf %div3A_82, %add3A_80 : vector<16xf32>
        %swap3A_84 = arith.constant 2 : i32
        %swap3A_85 = arith.index_cast %swap3A_84 : i32 to index
        %swap3A_86 = arith.index_cast %mul3A_30 : i32 to index
        %swap3A_87 = tpu.vector_load %arg11[%swap3A_85, %swap3A_86] {strides = array<i32>} : memref<16x1024xf32, #tpu.memory_space<vmem>>, vector<1x16xf32>,
        %swap3A_88 = vector.shape_cast %swap3A_87 : vector<1x16xf32> to vector<16xf32>
        %swap3A_89 = vector.shape_cast %div3A_83 : vector<16xf32> to vector<1x16xf32>
        tpu.vector_store %arg11[%swap3A_85, %swap3A_86], %swap3A_89 {strides = array<i32>} : memref<16x1024xf32, #tpu.memory_space<vmem>>, vector<1x16xf32>,
        %get3A_90 = arith.constant 3 : i32
        %get3A_91 = arith.index_cast %get3A_90 : i32 to index
        %get3A_92 = arith.index_cast %mul3A_30 : i32 to index
        %get3A_93 = tpu.vector_load %arg9[%get3A_91, %get3A_92] {strides = array<i32>} : memref<16x1024xf32, #tpu.memory_space<vmem>>, vector<1x16xf32>,
        %get3A_94 = vector.shape_cast %get3A_93 : vector<1x16xf32> to vector<16xf32>
        %mul3A_95 = arith.constant -2.000000e+00 : f32
        %mul3A_96 = vector.broadcast %mul3A_95 : f32 to vector<16xf32>
        %mul3A_97 = arith.mulf %mul3A_96, %get3A_94 : vector<16xf32>
        %exp3A_98 = math.exp %mul3A_97 : vector<16xf32>
        %add3A_99 = arith.constant 1.000000e+00 : f32
        %add3A_100 = vector.broadcast %add3A_99 : f32 to vector<16xf32>
        %add3A_101 = arith.addf %add3A_100, %exp3A_98 : vector<16xf32>
        %div3A_102 = arith.constant 1.000000e+00 : f32
        %div3A_103 = vector.broadcast %div3A_102 : f32 to vector<16xf32>
        %div3A_104 = arith.divf %div3A_103, %add3A_101 : vector<16xf32>
        %swap3A_105 = arith.constant 3 : i32
        %swap3A_106 = arith.index_cast %swap3A_105 : i32 to index
        %swap3A_107 = arith.index_cast %mul3A_30 : i32 to index
        %swap3A_108 = tpu.vector_load %arg11[%swap3A_106, %swap3A_107] {strides = array<i32>} : memref<16x1024xf32, #tpu.memory_space<vmem>>, vector<1x16xf32>,
        %swap3A_109 = vector.shape_cast %swap3A_108 : vector<1x16xf32> to vector<16xf32>
        %swap3A_110 = vector.shape_cast %div3A_104 : vector<16xf32> to vector<1x16xf32>
        tpu.vector_store %arg11[%swap3A_106, %swap3A_107], %swap3A_110 {strides = array<i32>} : memref<16x1024xf32, #tpu.memory_space<vmem>>, vector<1x16xf32>,
        %get3A_111 = arith.constant 4 : i32
        %get3A_112 = arith.index_cast %get3A_111 : i32 to index
        %get3A_113 = arith.index_cast %mul3A_30 : i32 to index
        %get3A_114 = tpu.vector_load %arg9[%get3A_112, %get3A_113] {strides = array<i32>} : memref<16x1024xf32, #tpu.memory_space<vmem>>, vector<1x16xf32>,
        %get3A_115 = vector.shape_cast %get3A_114 : vector<1x16xf32> to vector<16xf32>
        %mul3A_116 = arith.constant -2.000000e+00 : f32
        %mul3A_117 = vector.broadcast %mul3A_116 : f32 to vector<16xf32>
        %mul3A_118 = arith.mulf %mul3A_117, %get3A_115 : vector<16xf32>
        %exp3A_119 = math.exp %mul3A_118 : vector<16xf32>
        %add3A_120 = arith.constant 1.000000e+00 : f32
        %add3A_121 = vector.broadcast %add3A_120 : f32 to vector<16xf32>
        %add3A_122 = arith.addf %add3A_121, %exp3A_119 : vector<16xf32>
        %div3A_123 = arith.constant 1.000000e+00 : f32
        %div3A_124 = vector.broadcast %div3A_123 : f32 to vector<16xf32>
        %div3A_125 = arith.divf %div3A_124, %add3A_122 : vector<16xf32>
        %swap3A_126 = arith.constant 4 : i32
        %swap3A_127 = arith.index_cast %swap3A_126 : i32 to index
        %swap3A_128 = arith.index_cast %mul3A_30 : i32 to index
        %swap3A_129 = tpu.vector_load %arg11[%swap3A_127, %swap3A_128] {strides = array<i32>} : memref<16x1024xf32, #tpu.memory_space<vmem>>, vector<1x16xf32>,
        %swap3A_130 = vector.shape_cast %swap3A_129 : vector<1x16xf32> to vector<16xf32>
        %swap3A_131 = vector.shape_cast %div3A_125 : vector<16xf32> to vector<1x16xf32>
        tpu.vector_store %arg11[%swap3A_127, %swap3A_128], %swap3A_131 {strides = array<i32>} : memref<16x1024xf32, #tpu.memory_space<vmem>>, vector<1x16xf32>,
        %get3A_132 = arith.constant 5 : i32
        %get3A_133 = arith.index_cast %get3A_132 : i32 to index
        %get3A_134 = arith.index_cast %mul3A_30 : i32 to index
        %get3A_135 = tpu.vector_load %arg9[%get3A_133, %get3A_134] {strides = array<i32>} : memref<16x1024xf32, #tpu.memory_space<vmem>>, vector<1x16xf32>,
        %get3A_136 = vector.shape_cast %get3A_135 : vector<1x16xf32> to vector<16xf32>
        %mul3A_137 = arith.constant -2.000000e+00 : f32
        %mul3A_138 = vector.broadcast %mul3A_137 : f32 to vector<16xf32>
        %mul3A_139 = arith.mulf %mul3A_138, %get3A_136 : vector<16xf32>
        %exp3A_140 = math.exp %mul3A_139 : vector<16xf32>
        %add3A_141 = arith.constant 1.000000e+00 : f32
        %add3A_142 = vector.broadcast %add3A_141 : f32 to vector<16xf32>
        %add3A_143 = arith.addf %add3A_142, %exp3A_140 : vector<16xf32>
        %div3A_144 = arith.constant 1.000000e+00 : f32
        %div3A_145 = vector.broadcast %div3A_144 : f32 to vector<16xf32>
        %div3A_146 = arith.divf %div3A_145, %add3A_143 : vector<16xf32>
        %swap3A_147 = arith.constant 5 : i32
        %swap3A_148 = arith.index_cast %swap3A_147 : i32 to index
        %swap3A_149 = arith.index_cast %mul3A_30 : i32 to index
        %swap3A_150 = tpu.vector_load %arg11[%swap3A_148, %swap3A_149] {strides = array<i32>} : memref<16x1024xf32, #tpu.memory_space<vmem>>, vector<1x16xf32>,
        %swap3A_151 = vector.shape_cast %swap3A_150 : vector<1x16xf32> to vector<16xf32>
        %swap3A_152 = vector.shape_cast %div3A_146 : vector<16xf32> to vector<1x16xf32>
        tpu.vector_store %arg11[%swap3A_148, %swap3A_149], %swap3A_152 {strides = array<i32>} : memref<16x1024xf32, #tpu.memory_space<vmem>>, vector<1x16xf32>,
        %get3A_153 = arith.constant 6 : i32
        %get3A_154 = arith.index_cast %get3A_153 : i32 to index
        %get3A_155 = arith.index_cast %mul3A_30 : i32 to index
        %get3A_156 = tpu.vector_load %arg9[%get3A_154, %get3A_155] {strides = array<i32>} : memref<16x1024xf32, #tpu.memory_space<vmem>>, vector<1x16xf32>,
        %get3A_157 = vector.shape_cast %get3A_156 : vector<1x16xf32> to vector<16xf32>
        %mul3A_158 = arith.constant -2.000000e+00 : f32
        %mul3A_159 = vector.broadcast %mul3A_158 : f32 to vector<16xf32>
        %mul3A_160 = arith.mulf %mul3A_159, %get3A_157 : vector<16xf32>
        %exp3A_161 = math.exp %mul3A_160 : vector<16xf32>
        %add3A_162 = arith.constant 1.000000e+00 : f32
        %add3A_163 = vector.broadcast %add3A_162 : f32 to vector<16xf32>
        %add3A_164 = arith.addf %add3A_163, %exp3A_161 : vector<16xf32>
        %div3A_165 = arith.constant 1.000000e+00 : f32
        %div3A_166 = vector.broadcast %div3A_165 : f32 to vector<16xf32>
        %div3A_167 = arith.divf %div3A_166, %add3A_164 : vector<16xf32>
        %swap3A_168 = arith.constant 6 : i32
        %swap3A_169 = arith.index_cast %swap3A_168 : i32 to index
        %swap3A_170 = arith.index_cast %mul3A_30 : i32 to index
        %swap3A_171 = tpu.vector_load %arg11[%swap3A_169, %swap3A_170] {strides = array<i32>} : memref<16x1024xf32, #tpu.memory_space<vmem>>, vector<1x16xf32>,
        %swap3A_172 = vector.shape_cast %swap3A_171 : vector<1x16xf32> to vector<16xf32>
        %swap3A_173 = vector.shape_cast %div3A_167 : vector<16xf32> to vector<1x16xf32>
        tpu.vector_store %arg11[%swap3A_169, %swap3A_170], %swap3A_173 {strides = array<i32>} : memref<16x1024xf32, #tpu.memory_space<vmem>>, vector<1x16xf32>,
        %get3A_174 = arith.constant 7 : i32
        %get3A_175 = arith.index_cast %get3A_174 : i32 to index
        %get3A_176 = arith.index_cast %mul3A_30 : i32 to index
        %get3A_177 = tpu.vector_load %arg9[%get3A_175, %get3A_176] {strides = array<i32>} : memref<16x1024xf32, #tpu.memory_space<vmem>>, vector<1x16xf32>,
        %get3A_178 = vector.shape_cast %get3A_177 : vector<1x16xf32> to vector<16xf32>
        %mul3A_179 = arith.constant -2.000000e+00 : f32
        %mul3A_180 = vector.broadcast %mul3A_179 : f32 to vector<16xf32>
        %mul3A_181 = arith.mulf %mul3A_180, %get3A_178 : vector<16xf32>
        %exp3A_182 = math.exp %mul3A_181 : vector<16xf32>
        %add3A_183 = arith.constant 1.000000e+00 : f32
        %add3A_184 = vector.broadcast %add3A_183 : f32 to vector<16xf32>
        %add3A_185 = arith.addf %add3A_184, %exp3A_182 : vector<16xf32>
        %div3A_186 = arith.constant 1.000000e+00 : f32
        %div3A_187 = vector.broadcast %div3A_186 : f32 to vector<16xf32>
        %div3A_188 = arith.divf %div3A_187, %add3A_185 : vector<16xf32>
        %swap3A_189 = arith.constant 7 : i32
        %swap3A_190 = arith.index_cast %swap3A_189 : i32 to index
        %swap3A_191 = arith.index_cast %mul3A_30 : i32 to index
        %swap3A_192 = tpu.vector_load %arg11[%swap3A_190, %swap3A_191] {strides = array<i32>} : memref<16x1024xf32, #tpu.memory_space<vmem>>, vector<1x16xf32>,
        %swap3A_193 = vector.shape_cast %swap3A_192 : vector<1x16xf32> to vector<16xf32>
        %swap3A_194 = vector.shape_cast %div3A_188 : vector<16xf32> to vector<1x16xf32>
        tpu.vector_store %arg11[%swap3A_190, %swap3A_191], %swap3A_194 {strides = array<i32>} : memref<16x1024xf32, #tpu.memory_space<vmem>>, vector<1x16xf32>,
        %get3A_195 = arith.constant 8 : i32
        %get3A_196 = arith.index_cast %get3A_195 : i32 to index
        %get3A_197 = arith.index_cast %mul3A_30 : i32 to index
        %get3A_198 = tpu.vector_load %arg9[%get3A_196, %get3A_197] {strides = array<i32>} : memref<16x1024xf32, #tpu.memory_space<vmem>>, vector<1x16xf32>,
        %get3A_199 = vector.shape_cast %get3A_198 : vector<1x16xf32> to vector<16xf32>
        %mul3A_200 = arith.constant -2.000000e+00 : f32
        %mul3A_201 = vector.broadcast %mul3A_200 : f32 to vector<16xf32>
        %mul3A_202 = arith.mulf %mul3A_201, %get3A_199 : vector<16xf32>
        %exp3A_203 = math.exp %mul3A_202 : vector<16xf32>
        %add3A_204 = arith.constant 1.000000e+00 : f32
        %add3A_205 = vector.broadcast %add3A_204 : f32 to vector<16xf32>
        %add3A_206 = arith.addf %add3A_205, %exp3A_203 : vector<16xf32>
        %div3A_207 = arith.constant 1.000000e+00 : f32
        %div3A_208 = vector.broadcast %div3A_207 : f32 to vector<16xf32>
        %div3A_209 = arith.divf %div3A_208, %add3A_206 : vector<16xf32>
        %swap3A_210 = arith.constant 8 : i32
        %swap3A_211 = arith.index_cast %swap3A_210 : i32 to index
        %swap3A_212 = arith.index_cast %mul3A_30 : i32 to index
        %swap3A_213 = tpu.vector_load %arg11[%swap3A_211, %swap3A_212] {strides = array<i32>} : memref<16x1024xf32, #tpu.memory_space<vmem>>, vector<1x16xf32>,
        %swap3A_214 = vector.shape_cast %swap3A_213 : vector<1x16xf32> to vector<16xf32>
        %swap3A_215 = vector.shape_cast %div3A_209 : vector<16xf32> to vector<1x16xf32>
        tpu.vector_store %arg11[%swap3A_211, %swap3A_212], %swap3A_215 {strides = array<i32>} : memref<16x1024xf32, #tpu.memory_space<vmem>>, vector<1x16xf32>,
        %get3A_216 = arith.constant 9 : i32
        %get3A_217 = arith.index_cast %get3A_216 : i32 to index
        %get3A_218 = arith.index_cast %mul3A_30 : i32 to index
        %get3A_219 = tpu.vector_load %arg9[%get3A_217, %get3A_218] {strides = array<i32>} : memref<16x1024xf32, #tpu.memory_space<vmem>>, vector<1x16xf32>,
        %get3A_220 = vector.shape_cast %get3A_219 : vector<1x16xf32> to vector<16xf32>
        %mul3A_221 = arith.constant -2.000000e+00 : f32
        %mul3A_222 = vector.broadcast %mul3A_221 : f32 to vector<16xf32>
        %mul3A_223 = arith.mulf %mul3A_222, %get3A_220 : vector<16xf32>
        %exp3A_224 = math.exp %mul3A_223 : vector<16xf32>
        %add3A_225 = arith.constant 1.000000e+00 : f32
        %add3A_226 = vector.broadcast %add3A_225 : f32 to vector<16xf32>
        %add3A_227 = arith.addf %add3A_226, %exp3A_224 : vector<16xf32>
        %div3A_228 = arith.constant 1.000000e+00 : f32
        %div3A_229 = vector.broadcast %div3A_228 : f32 to vector<16xf32>
        %div3A_230 = arith.divf %div3A_229, %add3A_227 : vector<16xf32>
        %swap3A_231 = arith.constant 9 : i32
        %swap3A_232 = arith.index_cast %swap3A_231 : i32 to index
        %swap3A_233 = arith.index_cast %mul3A_30 : i32 to index
        %swap3A_234 = tpu.vector_load %arg11[%swap3A_232, %swap3A_233] {strides = array<i32>} : memref<16x1024xf32, #tpu.memory_space<vmem>>, vector<1x16xf32>,
        %swap3A_235 = vector.shape_cast %swap3A_234 : vector<1x16xf32> to vector<16xf32>
        %swap3A_236 = vector.shape_cast %div3A_230 : vector<16xf32> to vector<1x16xf32>
        tpu.vector_store %arg11[%swap3A_232, %swap3A_233], %swap3A_236 {strides = array<i32>} : memref<16x1024xf32, #tpu.memory_space<vmem>>, vector<1x16xf32>,
        %get3A_237 = arith.constant 10 : i32
        %get3A_238 = arith.index_cast %get3A_237 : i32 to index
        %get3A_239 = arith.index_cast %mul3A_30 : i32 to index
        %get3A_240 = tpu.vector_load %arg9[%get3A_238, %get3A_239] {strides = array<i32>} : memref<16x1024xf32, #tpu.memory_space<vmem>>, vector<1x16xf32>,
        %get3A_241 = vector.shape_cast %get3A_240 : vector<1x16xf32> to vector<16xf32>
        %mul3A_242 = arith.constant -2.000000e+00 : f32
        %mul3A_243 = vector.broadcast %mul3A_242 : f32 to vector<16xf32>
        %mul3A_244 = arith.mulf %mul3A_243, %get3A_241 : vector<16xf32>
        %exp3A_245 = math.exp %mul3A_244 : vector<16xf32>
        %add3A_246 = arith.constant 1.000000e+00 : f32
        %add3A_247 = vector.broadcast %add3A_246 : f32 to vector<16xf32>
        %add3A_248 = arith.addf %add3A_247, %exp3A_245 : vector<16xf32>
        %div3A_249 = arith.constant 1.000000e+00 : f32
        %div3A_250 = vector.broadcast %div3A_249 : f32 to vector<16xf32>
        %div3A_251 = arith.divf %div3A_250, %add3A_248 : vector<16xf32>
        %swap3A_252 = arith.constant 10 : i32
        %swap3A_253 = arith.index_cast %swap3A_252 : i32 to index
        %swap3A_254 = arith.index_cast %mul3A_30 : i32 to index
        %swap3A_255 = tpu.vector_load %arg11[%swap3A_253, %swap3A_254] {strides = array<i32>} : memref<16x1024xf32, #tpu.memory_space<vmem>>, vector<1x16xf32>,
        %swap3A_256 = vector.shape_cast %swap3A_255 : vector<1x16xf32> to vector<16xf32>
        %swap3A_257 = vector.shape_cast %div3A_251 : vector<16xf32> to vector<1x16xf32>
        tpu.vector_store %arg11[%swap3A_253, %swap3A_254], %swap3A_257 {strides = array<i32>} : memref<16x1024xf32, #tpu.memory_space<vmem>>, vector<1x16xf32>,
        %get3A_258 = arith.constant 11 : i32
        %get3A_259 = arith.index_cast %get3A_258 : i32 to index
        %get3A_260 = arith.index_cast %mul3A_30 : i32 to index
        %get3A_261 = tpu.vector_load %arg9[%get3A_259, %get3A_260] {strides = array<i32>} : memref<16x1024xf32, #tpu.memory_space<vmem>>, vector<1x16xf32>,
        %get3A_262 = vector.shape_cast %get3A_261 : vector<1x16xf32> to vector<16xf32>
        %mul3A_263 = arith.constant -2.000000e+00 : f32
        %mul3A_264 = vector.broadcast %mul3A_263 : f32 to vector<16xf32>
        %mul3A_265 = arith.mulf %mul3A_264, %get3A_262 : vector<16xf32>
        %exp3A_266 = math.exp %mul3A_265 : vector<16xf32>
        %add3A_267 = arith.constant 1.000000e+00 : f32
        %add3A_268 = vector.broadcast %add3A_267 : f32 to vector<16xf32>
        %add3A_269 = arith.addf %add3A_268, %exp3A_266 : vector<16xf32>
        %div3A_270 = arith.constant 1.000000e+00 : f32
        %div3A_271 = vector.broadcast %div3A_270 : f32 to vector<16xf32>
        %div3A_272 = arith.divf %div3A_271, %add3A_269 : vector<16xf32>
        %swap3A_273 = arith.constant 11 : i32
        %swap3A_274 = arith.index_cast %swap3A_273 : i32 to index
        %swap3A_275 = arith.index_cast %mul3A_30 : i32 to index
        %swap3A_276 = tpu.vector_load %arg11[%swap3A_274, %swap3A_275] {strides = array<i32>} : memref<16x1024xf32, #tpu.memory_space<vmem>>, vector<1x16xf32>,
        %swap3A_277 = vector.shape_cast %swap3A_276 : vector<1x16xf32> to vector<16xf32>
        %swap3A_278 = vector.shape_cast %div3A_272 : vector<16xf32> to vector<1x16xf32>
        tpu.vector_store %arg11[%swap3A_274, %swap3A_275], %swap3A_278 {strides = array<i32>} : memref<16x1024xf32, #tpu.memory_space<vmem>>, vector<1x16xf32>,
        %get3A_279 = arith.constant 12 : i32
        %get3A_280 = arith.index_cast %get3A_279 : i32 to index
        %get3A_281 = arith.index_cast %mul3A_30 : i32 to index
        %get3A_282 = tpu.vector_load %arg9[%get3A_280, %get3A_281] {strides = array<i32>} : memref<16x1024xf32, #tpu.memory_space<vmem>>, vector<1x16xf32>,
        %get3A_283 = vector.shape_cast %get3A_282 : vector<1x16xf32> to vector<16xf32>
        %mul3A_284 = arith.constant -2.000000e+00 : f32
        %mul3A_285 = vector.broadcast %mul3A_284 : f32 to vector<16xf32>
        %mul3A_286 = arith.mulf %mul3A_285, %get3A_283 : vector<16xf32>
        %exp3A_287 = math.exp %mul3A_286 : vector<16xf32>
        %add3A_288 = arith.constant 1.000000e+00 : f32
        %add3A_289 = vector.broadcast %add3A_288 : f32 to vector<16xf32>
        %add3A_290 = arith.addf %add3A_289, %exp3A_287 : vector<16xf32>
        %div3A_291 = arith.constant 1.000000e+00 : f32
        %div3A_292 = vector.broadcast %div3A_291 : f32 to vector<16xf32>
        %div3A_293 = arith.divf %div3A_292, %add3A_290 : vector<16xf32>
        %swap3A_294 = arith.constant 12 : i32
        %swap3A_295 = arith.index_cast %swap3A_294 : i32 to index
        %swap3A_296 = arith.index_cast %mul3A_30 : i32 to index
        %swap3A_297 = tpu.vector_load %arg11[%swap3A_295, %swap3A_296] {strides = array<i32>} : memref<16x1024xf32, #tpu.memory_space<vmem>>, vector<1x16xf32>,
        %swap3A_298 = vector.shape_cast %swap3A_297 : vector<1x16xf32> to vector<16xf32>
        %swap3A_299 = vector.shape_cast %div3A_293 : vector<16xf32> to vector<1x16xf32>
        tpu.vector_store %arg11[%swap3A_295, %swap3A_296], %swap3A_299 {strides = array<i32>} : memref<16x1024xf32, #tpu.memory_space<vmem>>, vector<1x16xf32>,
        %get3A_300 = arith.constant 13 : i32
        %get3A_301 = arith.index_cast %get3A_300 : i32 to index
        %get3A_302 = arith.index_cast %mul3A_30 : i32 to index
        %get3A_303 = tpu.vector_load %arg9[%get3A_301, %get3A_302] {strides = array<i32>} : memref<16x1024xf32, #tpu.memory_space<vmem>>, vector<1x16xf32>,
        %get3A_304 = vector.shape_cast %get3A_303 : vector<1x16xf32> to vector<16xf32>
        %mul3A_305 = arith.constant -2.000000e+00 : f32
        %mul3A_306 = vector.broadcast %mul3A_305 : f32 to vector<16xf32>
        %mul3A_307 = arith.mulf %mul3A_306, %get3A_304 : vector<16xf32>
        %exp3A_308 = math.exp %mul3A_307 : vector<16xf32>
        %add3A_309 = arith.constant 1.000000e+00 : f32
        %add3A_310 = vector.broadcast %add3A_309 : f32 to vector<16xf32>
        %add3A_311 = arith.addf %add3A_310, %exp3A_308 : vector<16xf32>
        %div3A_312 = arith.constant 1.000000e+00 : f32
        %div3A_313 = vector.broadcast %div3A_312 : f32 to vector<16xf32>
        %div3A_314 = arith.divf %div3A_313, %add3A_311 : vector<16xf32>
        %swap3A_315 = arith.constant 13 : i32
        %swap3A_316 = arith.index_cast %swap3A_315 : i32 to index
        %swap3A_317 = arith.index_cast %mul3A_30 : i32 to index
        %swap3A_318 = tpu.vector_load %arg11[%swap3A_316, %swap3A_317] {strides = array<i32>} : memref<16x1024xf32, #tpu.memory_space<vmem>>, vector<1x16xf32>,
        %swap3A_319 = vector.shape_cast %swap3A_318 : vector<1x16xf32> to vector<16xf32>
        %swap3A_320 = vector.shape_cast %div3A_314 : vector<16xf32> to vector<1x16xf32>
        tpu.vector_store %arg11[%swap3A_316, %swap3A_317], %swap3A_320 {strides = array<i32>} : memref<16x1024xf32, #tpu.memory_space<vmem>>, vector<1x16xf32>,
        %get3A_321 = arith.constant 14 : i32
        %get3A_322 = arith.index_cast %get3A_321 : i32 to index
        %get3A_323 = arith.index_cast %mul3A_30 : i32 to index
        %get3A_324 = tpu.vector_load %arg9[%get3A_322, %get3A_323] {strides = array<i32>} : memref<16x1024xf32, #tpu.memory_space<vmem>>, vector<1x16xf32>,
        %get3A_325 = vector.shape_cast %get3A_324 : vector<1x16xf32> to vector<16xf32>
        %mul3A_326 = arith.constant -2.000000e+00 : f32
        %mul3A_327 = vector.broadcast %mul3A_326 : f32 to vector<16xf32>
        %mul3A_328 = arith.mulf %mul3A_327, %get3A_325 : vector<16xf32>
        %exp3A_329 = math.exp %mul3A_328 : vector<16xf32>
        %add3A_330 = arith.constant 1.000000e+00 : f32
        %add3A_331 = vector.broadcast %add3A_330 : f32 to vector<16xf32>
        %add3A_332 = arith.addf %add3A_331, %exp3A_329 : vector<16xf32>
        %div3A_333 = arith.constant 1.000000e+00 : f32
        %div3A_334 = vector.broadcast %div3A_333 : f32 to vector<16xf32>
        %div3A_335 = arith.divf %div3A_334, %add3A_332 : vector<16xf32>
        %swap3A_336 = arith.constant 14 : i32
        %swap3A_337 = arith.index_cast %swap3A_336 : i32 to index
        %swap3A_338 = arith.index_cast %mul3A_30 : i32 to index
        %swap3A_339 = tpu.vector_load %arg11[%swap3A_337, %swap3A_338] {strides = array<i32>} : memref<16x1024xf32, #tpu.memory_space<vmem>>, vector<1x16xf32>,
        %swap3A_340 = vector.shape_cast %swap3A_339 : vector<1x16xf32> to vector<16xf32>
        %swap3A_341 = vector.shape_cast %div3A_335 : vector<16xf32> to vector<1x16xf32>
        tpu.vector_store %arg11[%swap3A_337, %swap3A_338], %swap3A_341 {strides = array<i32>} : memref<16x1024xf32, #tpu.memory_space<vmem>>, vector<1x16xf32>,
        %get3A_342 = arith.constant 15 : i32
        %get3A_343 = arith.index_cast %get3A_342 : i32 to index
        %get3A_344 = arith.index_cast %mul3A_30 : i32 to index
        %get3A_345 = tpu.vector_load %arg9[%get3A_343, %get3A_344] {strides = array<i32>} : memref<16x1024xf32, #tpu.memory_space<vmem>>, vector<1x16xf32>,
        %get3A_346 = vector.shape_cast %get3A_345 : vector<1x16xf32> to vector<16xf32>
        %mul3A_347 = arith.constant -2.000000e+00 : f32
        %mul3A_348 = vector.broadcast %mul3A_347 : f32 to vector<16xf32>
        %mul3A_349 = arith.mulf %mul3A_348, %get3A_346 : vector<16xf32>
        %exp3A_350 = math.exp %mul3A_349 : vector<16xf32>
        %add3A_351 = arith.constant 1.000000e+00 : f32
        %add3A_352 = vector.broadcast %add3A_351 : f32 to vector<16xf32>
        %add3A_353 = arith.addf %add3A_352, %exp3A_350 : vector<16xf32>
        %div3A_354 = arith.constant 1.000000e+00 : f32
        %div3A_355 = vector.broadcast %div3A_354 : f32 to vector<16xf32>
        %div3A_356 = arith.divf %div3A_355, %add3A_353 : vector<16xf32>
        %swap3A_357 = arith.constant 15 : i32
        %swap3A_358 = arith.index_cast %swap3A_357 : i32 to index
        %swap3A_359 = arith.index_cast %mul3A_30 : i32 to index
        %swap3A_360 = tpu.vector_load %arg11[%swap3A_358, %swap3A_359] {strides = array<i32>} : memref<16x1024xf32, #tpu.memory_space<vmem>>, vector<1x16xf32>,
        %swap3A_361 = vector.shape_cast %swap3A_360 : vector<1x16xf32> to vector<16xf32>
        %swap3A_362 = vector.shape_cast %div3A_356 : vector<16xf32> to vector<1x16xf32>
        tpu.vector_store %arg11[%swap3A_358, %swap3A_359], %swap3A_362 {strides = array<i32>} : memref<16x1024xf32, #tpu.memory_space<vmem>>, vector<1x16xf32>,
      }
      %scan3A_23 = arith.constant 64 : i32
      "tpu.region"() ({
        %run_scoped3A = tpu.sem_alloc : memref<!tpu.dma_semaphore, #tpu.memory_space<semaphore_mem>>
        %dma_start3A_24 = arith.constant 0 : i32
        %dma_start3A_25 = tpu.memref_slice %arg6[%mul3A_2, %dma_start3A_24] : memref<208x1024xf32, #tpu.memory_space<hbm>> -> memref<16x1024xf32, #tpu.memory_space<hbm>>
        %dma_start3A_26 = arith.constant 0 : i32
        %dma_start3A_27 = tpu.memref_slice %arg6[%mul3A_2, %dma_start3A_26] : memref<208x1024xf32, #tpu.memory_space<hbm>> -> memref<16x1024xf32, #tpu.memory_space<hbm>>
        tpu.enqueue_dma source(%arg11 : memref<16x1024xf32, #tpu.memory_space<vmem>>) target(%dma_start3A_27 : memref<16x1024xf32, #tpu.memory_space<hbm>>) target_semaphore(%run_scoped3A : memref<!tpu.dma_semaphore, #tpu.memory_space<semaphore_mem>>)
        %dma_wait3A_28 = arith.constant 0 : i32
        %dma_wait3A_29 = tpu.memref_slice %arg6[%mul3A_2, %dma_wait3A_28] : memref<208x1024xf32, #tpu.memory_space<hbm>> -> memref<16x1024xf32, #tpu.memory_space<hbm>>
        %dma_wait3A_30 = arith.constant 0 : i32
        %dma_wait3A_31 = tpu.memref_slice %arg6[%mul3A_2, %dma_wait3A_30] : memref<208x1024xf32, #tpu.memory_space<hbm>> -> memref<16x1024xf32, #tpu.memory_space<hbm>>
        tpu.wait_dma2 semaphore(%run_scoped3A : memref<!tpu.dma_semaphore, #tpu.memory_space<semaphore_mem>>) src(%arg11 : memref<16x1024xf32, #tpu.memory_space<vmem>>) dst(%dma_wait3A_31 : memref<16x1024xf32, #tpu.memory_space<hbm>>)
        tpu.yield
      }) : () -> ()
    } else {
    }
    return
  }
}

</mosaic_0001>

<sc_bundles>
// kernel: kernel.3.cloned.1.call-start
scs
__scs_entry_jumppad:
0x0: {  	(pc) =	sbr.rel $0x88, $3  }
0x1: {  	(tag) =	ssettag $0x0;
	lr =	simm.s32 $0x1  }
0x2: {  	[smem:$0x3F9E] =	sst lr;
	_ =	strace $0xD0000000  }
0x3: {  	_ = 	snop  }
0x4: {  	_ = 	snop  }
0x5: {  	_ = 	snop  }
0x6: {  	_ = 	snop  }
0x7: {  	_ = 	snop  }
__scs_overlays_trampoline_lowered:
0x8: {  	[smem:$0x3FAD] =	sst s0  }
0x9: {  	[smem:$0x3FAE] =	sst s1  }
0xa: {  	[smem:$0x3FAF] =	sst s2  }
0xb: {  	[smem:$0x3FB0] =	sst s3  }
0xc: {  	[smem:$0x3FB1] =	sst s4  }
0xd: {  	[smem:$0x3FB2] =	sst s5  }
0xe: {  	[smem:$0x3FB3] =	sst s6  }
0xf: {  	[smem:$0x3FB4] =	sst s7  }
0x10: {  	[smem:$0x3FB5] =	sst s8  }
0x11: {  	[smem:$0x3FB6] =	sst s9;
	s0 =	simm.s32 @!p0 $0x0  }
0x12: {  	s1 =	sld [smem:$0x3F9C];
	s0 =	simm.s32 @p0 $0x1  }
0x13: {  	[smem:$0x3FB7] =	sst s0;
	s0 =	simm.s32 @!p1 $0x0  }
0x14: {  	s2 =	sld [smem:$0x3F9B];
	s0 =	simm.s32 @p1 $0x1  }
0x15: {  	[smem:$0x3FB8] =	sst s0;
	s0 =	simm.s32 @!p2 $0x0  }
0x16: {  	s3 =	sld [smem:$0x3FDB];
	s0 =	simm.s32 @p2 $0x1  }
0x17: {  	s4 =	simm.s32 $0x1BF5;
	[smem:$0x3FBA] =	sst s0  }
0x18: {  	s0 =	sld [smem:$0x3F9D];
	_ =	swait.ge [sflag:s4], $0x0  }
0x19: {  	s7 =	sld [smem:$0x3F9E]  }
0x1a: {  	s8 =	sadd.s32 $0xFFFFE003, lr  }
0x1b: {  	s9 =	sadd.s32 $0xFFFFFEF7, lr;
	s5 =	simm.s32 $0xFFFFFFFF;
	p2 =	slt.u32 s8, $0xFFFFF086  }
0x1c: {  	p1 =	slt.u32 s9, $0xF7A;
	s5 =	simm.s32 @!p2 $0x0  }
0x1d: {  	s5 =	simm.s32 @p1 $0x1;
	p0 =	seq.s32 s7, s2  }
0x1e: {  	s7 =	smul.u32 @!p0 $0xF7A, s2;
	p2 =	seq.s32 @!p0 s5, $0x0  }
0x1f: {  	s9 =	smul.u32 $0xF7A, s1;
	s8 =	simm.s32 @!p0 $0x1BF5;
	p2 =	por !p2, p0  }
0x20: {  	[sflag:s8] =	ssyncset.s32 @!p0 $0xFFFFF086;
	s6 =	sadd.s32 @!p0 s3, s7;
	s7 =	simm.s32 @!p0 $0x108  }
0x21: {  	s3 =	sadd.s32 s3, s9;
	s6 =	sadd.s32 @!p0 $0x88, s6;
	s7 =	simm.s32 @p2 $0x1082  }
0x22: {  	[simem:s7], [sflag:s8] =	dma.local @!p0 [hbm:s6], $0xF7A  }
0x23: {  	s9 =	sor.u32 $0xD0000000, s2;
	s6 =	simm.s32 $0x108;
	_ =	swait.ge @!p0 [sflag:s8], $0x0  }
0x24: {  	s3 =	sadd.s32 $0x88, s3;
	s6 =	simm.s32 @!p1 $0x1082;
	[sflag:s4] =	ssyncset.s32 $0xFFFFF086  }
0x25: {  	[simem:s6], [sflag:s4] =	dma.local [hbm:s3], $0xF7A  }
0x26: {  	[smem:$0x3F9E] =	sst s1;
	(tag) =	ssettag s2;
	_ =	strace s9  }
0x27: {  	s1 =	sld [smem:$0x3FAE]  }
0x28: {  	s2 =	sld [smem:$0x3FAF]  }
0x29: {  	s4 =	sld [smem:$0x3FB1]  }
0x2a: {  	p0 =	seq.s32 s5, $0x0;
	s5 =	sld [smem:$0x3FB2]  }
0x2b: {  	s6 =	sld [smem:$0x3FB3]  }
0x2c: {  	s7 =	sld [smem:$0x3FB4]  }
0x2d: {  	s3 =	simm.s32 $0x108;
	s8 =	sld [smem:$0x3FB5]  }
0x2e: {  	s3 =	simm.s32 @!p0 $0x1082;
	s9 =	sld [smem:$0x3FB6]  }
0x2f: {  	lr =	sadd.s32 s0, s3;
	s0 =	sld [smem:$0x3FAD]  }
0x30: {  	s3 =	sld [smem:$0x3FB0]  }
0x31: {  	[smem:$0x3FB9] =	sst s10  }
0x32: {  	s10 =	sld [smem:$0x3FB7];
	_ =	sdelay $0x3  }
0x33: {  	p0 =	seq.s32 s10, $0x1;
	s10 =	sld [smem:$0x3FB9];
	_ =	sdelay $0x3  }
0x34: {  	[smem:$0x3FB9] =	sst s10  }
0x35: {  	s10 =	sld [smem:$0x3FB8];
	_ =	sdelay $0x3  }
0x36: {  	p1 =	seq.s32 s10, $0x1;
	s10 =	sld [smem:$0x3FB9];
	_ =	sdelay $0x3  }
0x37: {  	[smem:$0x3FB9] =	sst s10  }
0x38: {  	s10 =	sld [smem:$0x3FBA]  }
0x39: {  	_ = 	snop;
	(pc) =	sbr.ind lr, $3  }
0x3a: {  	_ = 	snop  }
0x3b: {  	_ = 	snop  }
0x3c: {  	p2 =	seq.s32 s10, $0x1;
	s10 =	sld [smem:$0x3FB9]  }
0x3d: {  	_ =	shalt  }
0x3e: {  	_ =	shalt  }
0x3f: {  	_ =	shalt  }
0x40: {  	_ =	shalt  }
0x41: {  	_ =	shalt  }
0x42: {  	_ =	shalt  }
0x43: {  	_ =	shalt  }
0x44: {  	_ =	shalt  }
0x45: {  	_ =	shalt  }
0x46: {  	_ =	shalt  }
0x47: {  	_ =	shalt  }
0x48: {  	_ =	shalt  }
0x49: {  	_ =	shalt  }
0x4a: {  	_ =	shalt  }
0x4b: {  	_ =	shalt  }
0x4c: {  	_ =	shalt  }
0x4d: {  	_ =	shalt  }
0x4e: {  	_ =	shalt  }
0x4f: {  	_ =	shalt  }
0x50: {  	_ =	shalt  }
0x51: {  	_ =	shalt  }
0x52: {  	_ =	shalt  }
0x53: {  	_ =	shalt  }
0x54: {  	_ =	shalt  }
0x55: {  	_ =	shalt  }
0x56: {  	_ =	shalt  }
0x57: {  	_ =	shalt  }
0x58: {  	_ =	shalt  }
0x59: {  	_ =	shalt  }
0x5a: {  	_ =	shalt  }
0x5b: {  	_ =	shalt  }
0x5c: {  	_ =	shalt  }
0x5d: {  	_ =	shalt  }
0x5e: {  	_ =	shalt  }
0x5f: {  	_ =	shalt  }
0x60: {  	_ =	shalt  }
0x61: {  	_ =	shalt  }
0x62: {  	_ =	shalt  }
0x63: {  	_ =	shalt  }
0x64: {  	_ =	shalt  }
0x65: {  	_ =	shalt  }
0x66: {  	_ =	shalt  }
0x67: {  	_ =	shalt  }
0x68: {  	_ =	shalt  }
0x69: {  	_ =	shalt  }
0x6a: {  	_ =	shalt  }
0x6b: {  	_ =	shalt  }
0x6c: {  	_ =	shalt  }
0x6d: {  	_ =	shalt  }
0x6e: {  	_ =	shalt  }
0x6f: {  	_ =	shalt  }
0x70: {  	_ =	shalt  }
0x71: {  	_ =	shalt  }
0x72: {  	_ =	shalt  }
0x73: {  	_ =	shalt  }
0x74: {  	_ =	shalt  }
0x75: {  	_ =	shalt  }
0x76: {  	_ =	shalt  }
0x77: {  	_ =	shalt  }
0x78: {  	_ =	shalt  }
0x79: {  	_ =	shalt  }
0x7a: {  	_ =	shalt  }
0x7b: {  	_ =	shalt  }
0x7c: {  	_ =	shalt  }
0x7d: {  	_ =	shalt  }
0x7e: {  	_ =	shalt  }
0x7f: {  	_ =	shalt  }
0x80: {  	_ =	shalt  }
0x81: {  	_ =	shalt  }
0x82: {  	_ =	shalt  }
0x83: {  	_ =	shalt  }
0x84: {  	_ =	shalt  }
0x85: {  	_ =	shalt  }
0x86: {  	_ =	shalt  }
0x87: {  	_ =	shalt  }
.Lfunc_end0:
.L_simem_size_0:
called_computation_lowered:
.L_overlay_start_0:
0x88: {  	s0 =	sld [smem:$0x3FD9]  }
0x89: {  	s1 =	sld [smem:$0x3FFE];
	_ =	sdelay $0x3  }
0x8a: {  	s0 =	sadd.s32 s1, s0  }
0x8b: {  	[smem:$0x3FC5] =	sst s0  }
0x8c: {  	_ = 	snop  }
0x8d: {  	s0 =	sld [smem:$0x3FD0];
	_ =	sdelay $0x1  }
0x8e: {  	s13 =	sld [smem:$0x3FC9]  }
0x8f: {  	s3 =	simm.s32 $0xA;
	s4 =	simm.s32 $0x10;
	s2 =	sld [smem:$0x3FC8]  }
0x90: {  	[smem:s4], [sflag:s3] =	dma.local [hbm:s0], $0x1  }
0x91: {  	_ =	swait.eq [sflag:s3], $0x1  }
0x92: {  	[sflag:s3] =	ssyncset.done $0x0  }
0x93: {  	[sflag:s3] =	ssyncadd.s32 $0xFFFFFFFF  }
0x94: {  	s14 =	sld [smem:$0x11];
	(tm) =	ssettm $0x1  }
0x95: {  	s15 =	sld [smem:$0x3FFB];
	_ =	sdelay $0x3  }
0x96: {  	_ =	strace s15  }
0x97: {  	s3 =	sld [smem:$0x3FFC];
	_ =	sdelay $0x3  }
0x98: {  	_ =	strace s3  }
0x99: {  	s3 =	sld [smem:$0x3FFD];
	_ =	sdelay $0x3  }
0x9a: {  	_ =	strace s3  }
0x9b: {  	_ =	strace $0x8FFFFFFF  }
0x9c: {  	s16 =	sld [smem:$0x3FDB];
	_ =	sdelay $0x1  }
0x9d: {  	s17 =	simm.s32 $_scs_section_size  }
0x9e: {  	s5 =	simm.s32 $_size__tile_overlayer_lowered;
	s6 =	simm.s32 $_tile_overlayer_lowered  }
0x9f: {  	s20 =	simm.s32 $0x1BFF;
	s19 =	sshll.u32 s6, $0x1;
	s3 =	sadd.s32 s17, s16  }
0xa0: {  	s7 =	simm.s32 $0x0;
	s18 =	sshll.u32 s5, $0x1;
	s5 =	sadd.s32 s19, s3  }
0xa1: {  	[timem:s7], [sflag:s20] =	dma.local [hbm:s5], s18  }
0xa2: {  	_ =	swait.ge [sflag:s20], s18  }
0xa3: {  	s4 =	ssub.s32 $0x0, s18;
	[sflag:s20] =	ssyncset.done $0x0  }
0xa4: {  	[sflag:s20] =	ssyncadd.s32 s4;
	_ =	sdelay $0x1  }
0xa5: {  	s21 =	simm.s32 $0x1B8B  }
0xa6: {  	_ =	swait.ge [sflag:s21], $0x1  }
0xa7: {  	[sflag:s21] =	ssyncset.done $0x0  }
0xa8: {  	s23 =	simm.s32 $0x1B8E;
	s22 =	sld [smem:$0x3FFE];
	[sflag:s21] =	ssyncadd.s32 $0xFFFFFFFF  }
0xa9: {  	s24 =	simm.s32 $execute0_lowered;
	[smem:$0x3FD2] =	sst s23  }
0xaa: {  	s5 =	sshll.u32 s24, $0x1;
	_ =	strace $0x80000046;
	[dreg:$0x1] =	wrdreg $0xFFFFFFFF  }
0xab: {  	s25 =	simm.s32 $_size_execute0_lowered;
	s3 =	sadd.s32 s3, s5;
	[dreg:$0x0] =	wrdreg $0x0  }
0xac: {  	s5 =	sshll.u32 s25, $0x1;
	[dreg:$0x2] =	wrdreg s3  }
0xad: {  	[dreg:$0x3] =	wrdreg s5  }
0xae: {  	[dreg:$0x4] =	wrdreg $0xC0  }
0xaf: {  	_ =	task [dreg:s7], $0x5FFFF  }
0xb0: {  	[dreg:$0x1] =	wrdreg $0xFFFFFFFF  }
0xb1: {  	[dreg:$0x0] =	wrdreg $0x60  }
0xb2: {  	[dreg:$0x2] =	wrdreg s13  }
0xb3: {  	[dreg:$0x3] =	wrdreg s2  }
0xb4: {  	[dreg:$0x4] =	wrdreg s14  }
0xb5: {  	[dreg:$0x5] =	wrdreg s22  }
0xb6: {  	[dreg:$0x6] =	wrdreg $0x9  }
0xb7: {  	_ =	task.clear_ibuf [dreg:s7], $0x7FFFF;
	_ =	strace $0x90000046  }
0xb8: {  	s26 =	simm.s32 $0x9;
	_ =	strace $0x80000048  }
0xb9: {  	_ =	swait.ge [sflag:s26], $0x1  }
0xba: {  	[sflag:s26] =	ssyncadd.s32 $0xFFFFFFFF  }
0xbb: {  	_ =	strace $0x90000048  }
0xbc: {  	_ =	sfence  }
0xbd: {  	s28 =	sld [smem:$0x0];
	_ =	sdelay $0x1  }
0xbe: {  	s29 =	srdreg.scid  }
0xbf: {  	s30 =	sshll.u32 s29, $0xD;
	s31 =	sshrl.u32 s29, $0x2  }
0xc0: {  	s1 =	sand.u32 $0x1, s29;
	s2 =	sand.u32 $0x4000, s30;
	s0 =	sadd.s32 s31, s28  }
0xc1: {  	s1 =	sor.u32 s2, s1;
	s0 =	sshll.u32 s0, $0x11  }
0xc2: {  	s0 =	sor.u32 s0, s1  }
0xc3: {  	s0 =	sadd.s32 $0x8F2B, s0  }
0xc4: {  	[sflag:s0] =	ssyncadd.remote.s32 $0x1  }
0xc5: {  	_ =	sfence.sel $0xFFFF  }
0xc6: {  	[dreg:$0x0] =	wrdreg $0xFFFFFFFF;
	(pc) =	sbr.abs _section_cstart, $3  }
0xc7: {  	[dreg:$0x1] =	wrdreg $0xFFFFFFFF  }
0xc8: {  	_ =	task.clear_ibuf [dreg:s7], $0x2FFFF;
	_ =	strace $0x9FFFFFFF  }
0xc9: {  	(tm) =	ssettm $0x7FFFFFFF  }
tec
execute0_lowered:
.L_overlay_start_1:
0x0: {  	(tag) =	ssettag $0x1  }
0x1: {  	s1 =	stileid.u32  }
0x2: {  	s5 =	rddreg [dreg:$0x0];
	p0 =	sgt.u32 s1, $0xC  }
.Ltmp0:
0x3: {  	s4 =	rddreg [dreg:$0x1];
	(pc) =	sbr.rel @p0 .LBB2_6-.Ltmp0, $4  }
0x4: {  	s6 =	rddreg [dreg:$0x2]  }
0x5: {  	s2 =	rddreg [dreg:$0x3];
	s3 =	simm.s32 $0x0  }
0x6: {  	[smem:$0x7FF] =	sst s3  }
0x7: {  	s0 =	rddreg [dreg:$0x4];
	_ =	strace $0x80000047  }
0x8: {  	s7 =	sshll.u32 s1, $0x1  }
0x9: {  	s24 =	simm.s32 $0x3;
	s6 =	sadd.s32 s6, s7  }
0xa: {  	[tilespmem:s3], [sflag:$0x3] =	stream.linear.gather [hbm4b:s6+s3], $0x10, $0x38;
	[tilespmem:$0x10080] =	vst v63  }
0xb: {  	_ =	swait.ge [sflag:s24], $0x10  }
0xc: {  	[sflag:s24] =	ssyncset.done $0x0  }
0xd: {  	[sflag:s24] =	ssyncadd.s32 $0xFFFFFFF0  }
0xe: {  	v0 =	vld [tilespmem:$0x0];
	_ =	sdelay $0x4  }
0xf: {  	v1 =	vshll.u32 v0, $0x3  }
0x10: {  	v2 =	vlaneseq.u32;
	v0 =	vand.u32 $0x7, v0;
	v1 =	vand.u32 $0xFFFFFFC0, v1  }
0x11: {  	v11 =	vand.u32 $0x7, v2;
	v3 =	vshrl.u32 v2, $0x3;
	v0 =	vor.u32 v0, v1  }
0x12: {  	v3 =	vmul.u32 $0x8, v3;
	v4 =	vperm.xlane v0, v11;
	_ =	sdelay $0x1  }
0x13: {  	v4 =	vadd.s32 v3, v4;
	_ =	sdelay $0x3  }
0x14: {  	vm0 =	vmmov $0xffff;
	s25 =	simm.s32 $0x80  }
0x15: {  	v2 =	vor.u32 $0x8, v2;
	[tilespmem:s25], [sflag:$0x1] =	stream.indirect_vreg.gather [hbm4b:s5+s3], $0x80, v4, vm0, $0xb8;
	[tilespmem:$0x10080] =	vst v63  }
0x16: {  	s26 =	sadd.s32 $0x100, s5;
	s28 =	simm.s32 $0x880;
	v0 =	vperm.xlane v0, v2  }
0x17: {  	[tilespmem:s28], [sflag:$0x1] =	stream.indirect_vreg.gather [hbm4b:s26+s3], $0x80, v4, vm0, $0xb8;
	[tilespmem:$0x10080] =	vst v63  }
0x18: {  	s29 =	sadd.s32 $0x200, s5;
	s8 =	simm.s32 $0x1080;
	v0 =	vadd.s32 v3, v0  }
0x19: {  	[tilespmem:s8], [sflag:$0x1] =	stream.indirect_vreg.gather [hbm4b:s29+s3], $0x80, v4, vm0, $0xb8;
	[tilespmem:$0x10080] =	vst v63  }
0x1a: {  	s30 =	sadd.s32 $0x300, s5;
	s9 =	simm.s32 $0x1880  }
0x1b: {  	[tilespmem:s9], [sflag:$0x1] =	stream.indirect_vreg.gather [hbm4b:s30+s3], $0x80, v4, vm0, $0xb8;
	[tilespmem:$0x10080] =	vst v63  }
0x1c: {  	s31 =	simm.s32 $0x2080  }
0x1d: {  	[tilespmem:s31], [sflag:$0x1] =	stream.indirect_vreg.gather [hbm4b:s5+s3], $0x80, v0, vm0, $0xb8;
	[tilespmem:$0x10080] =	vst v63  }
0x1e: {  	s10 =	simm.s32 $0x2880  }
0x1f: {  	[tilespmem:s10], [sflag:$0x1] =	stream.indirect_vreg.gather [hbm4b:s26+s3], $0x80, v0, vm0, $0xb8;
	[tilespmem:$0x10080] =	vst v63  }
0x20: {  	s11 =	simm.s32 $0x3080  }
0x21: {  	[tilespmem:s11], [sflag:$0x1] =	stream.indirect_vreg.gather [hbm4b:s29+s3], $0x80, v0, vm0, $0xb8;
	[tilespmem:$0x10080] =	vst v63  }
0x22: {  	s12 =	simm.s32 $0x3880  }
0x23: {  	[tilespmem:s12], [sflag:$0x1] =	stream.indirect_vreg.gather [hbm4b:s30+s3], $0x80, v0, vm0, $0xb8;
	[tilespmem:$0x10080] =	vst v63  }
0x24: {  	v0 =	vld [tilespmem:$0x0];
	_ =	sdelay $0x4  }
0x25: {  	v12 =	vshll.u32 v0, $0x3  }
0x26: {  	v0 =	vand.u32 $0x7, v0;
	v4 =	vand.u32 $0xFFFFFFC0, v12  }
0x27: {  	v0 =	vor.u32 v0, v4  }
0x28: {  	v1 =	vperm.xlane v0, v11;
	_ =	sdelay $0x1  }
0x29: {  	v1 =	vadd.s32 v3, v1;
	_ =	sdelay $0x3  }
0x2a: {  	s13 =	simm.s32 $0x4080  }
0x2b: {  	[tilespmem:s13], [sflag:$0x2] =	stream.indirect_vreg.gather [hbm4b:s4+s3], $0x80, v1, vm0, $0xb8;
	[tilespmem:$0x10080] =	vst v63  }
0x2c: {  	s14 =	sadd.s32 $0x100, s4;
	s15 =	simm.s32 $0x4880;
	v0 =	vperm.xlane v0, v2  }
0x2d: {  	[tilespmem:s15], [sflag:$0x2] =	stream.indirect_vreg.gather [hbm4b:s14+s3], $0x80, v1, vm0, $0xb8;
	[tilespmem:$0x10080] =	vst v63  }
0x2e: {  	s16 =	sadd.s32 $0x200, s4;
	s17 =	simm.s32 $0x5080;
	v0 =	vadd.s32 v3, v0  }
0x2f: {  	[tilespmem:s17], [sflag:$0x2] =	stream.indirect_vreg.gather [hbm4b:s16+s3], $0x80, v1, vm0, $0xb8;
	[tilespmem:$0x10080] =	vst v63  }
0x30: {  	s18 =	sadd.s32 $0x300, s4;
	s19 =	simm.s32 $0x5880  }
0x31: {  	[tilespmem:s19], [sflag:$0x2] =	stream.indirect_vreg.gather [hbm4b:s18+s3], $0x80, v1, vm0, $0xb8;
	[tilespmem:$0x10080] =	vst v63  }
0x32: {  	s20 =	simm.s32 $0x6080  }
0x33: {  	[tilespmem:s20], [sflag:$0x2] =	stream.indirect_vreg.gather [hbm4b:s4+s3], $0x80, v0, vm0, $0xb8;
	[tilespmem:$0x10080] =	vst v63  }
0x34: {  	s21 =	simm.s32 $0x6880  }
0x35: {  	[tilespmem:s21], [sflag:$0x2] =	stream.indirect_vreg.gather [hbm4b:s14+s3], $0x80, v0, vm0, $0xb8;
	[tilespmem:$0x10080] =	vst v63  }
0x36: {  	s22 =	simm.s32 $0x7080  }
0x37: {  	[tilespmem:s22], [sflag:$0x2] =	stream.indirect_vreg.gather [hbm4b:s16+s3], $0x80, v0, vm0, $0xb8;
	[tilespmem:$0x10080] =	vst v63  }
0x38: {  	s23 =	simm.s32 $0x7880;
	s24 =	simm.s32 $0x1  }
0x39: {  	[tilespmem:s23], [sflag:$0x2] =	stream.indirect_vreg.gather [hbm4b:s18+s3], $0x80, v0, vm0, $0xb8;
	[tilespmem:$0x10080] =	vst v63  }
0x3a: {  	_ =	swait.ge [sflag:s24], $0x4000  }
0x3b: {  	s25 =	sand.u32 $0x70, s3;
	s26 =	sand.u32 $0x1C00, s3;
	[sflag:s24] =	ssyncset.done $0x0  }
0x3c: {  	s28 =	sor.u32 s25, s26;
	[sflag:s24] =	ssyncadd.s32 $0xFFFFC000  }
0x3d: {  	v13 =	vld [tilespmem:s28+$0x380]  }
0x3e: {  	v14 =	vld [tilespmem:s28+$0x280]  }
0x3f: {  	v15 =	vld [tilespmem:s28+$0x180]  }
0x40: {  	v16 =	vld [tilespmem:s28+$0x100]  }
0x41: {  	v17 =	vld [tilespmem:s28+$0x80]  }
0x42: {  	v5 =	vld [tilespmem:s28+$0x300]  }
0x43: {  	v6 =	vld [tilespmem:s28+$0x200]  }
0x44: {  	v0 =	vmul.f32 $-2.000000000e+00, v13  }
0x45: {  	v1 =	vmul.f32 $-2.000000000e+00, v14;
	v2 =	vmul.f32 $-2.000000000e+00, v15  }
0x46: {  	v3 =	vmul.f32 $-2.000000000e+00, v16;
	v4 =	vmul.f32 $-2.000000000e+00, v17  }
0x47: {  	v5 =	vmul.f32 $-2.000000000e+00, v5;
	v1 =	vmul.f32 $1.442695020e+00, v1  }
0x48: {  	v20 =	vmul.f32 $-2.000000000e+00, v6;
	v2 =	vmul.f32 $1.442695020e+00, v2  }
0x49: {  	v0 =	vmul.f32 $1.442695020e+00, v0;
	(erf) = vpow2.f32 v1  }
0x4a: {  	v19 =	vmul.f32 $1.442695020e+00, v5;
	(erf) = vpow2.f32 v2  }
0x4b: {  	v18 =	vmul.f32 $1.442695020e+00, v3;
	(erf) = vpow2.f32 v0  }
0x4c: {  	v21 =	vmul.f32 $1.442695020e+00, v4;
	(erf) = vpow2.f32 v19  }
0x4d: {  	v22 =	vmul.f32 $1.442695020e+00, v20;
	(erf) = vpow2.f32 v18  }
0x4e: {  	(erf) = vpow2.f32 v21  }
0x4f: {  	(erf) = vpow2.f32 v22;
	_ =	sdelay $0x2  }
0x50: {  	v23 =	vpop (erf)  }
0x51: {  	v0 =	vadd.f32 $1.000000000e+00, v23;
	v24 =	vpop (erf)  }
0x52: {  	v1 =	vadd.f32 $1.000000000e+00, v24;
	v25 =	vpop (erf)  }
0x53: {  	(erf) = vrcp.f32 v0;
	v26 =	vadd.f32 $1.000000000e+00, v25;
	v27 =	vpop (erf)  }
0x54: {  	v2 =	vadd.f32 $1.000000000e+00, v27;
	v28 =	vpop (erf);
	(erf) = vrcp.f32 v1  }
0x55: {  	v29 =	vadd.f32 $1.000000000e+00, v28;
	v30 =	vpop (erf);
	(erf) = vrcp.f32 v26  }
0x56: {  	v31 =	vadd.f32 $1.000000000e+00, v30;
	v32 =	vpop (erf);
	(erf) = vrcp.f32 v2  }
0x57: {  	v33 =	vadd.f32 $1.000000000e+00, v32;
	(erf) = vrcp.f32 v29  }
0x58: {  	(erf) = vrcp.f32 v31  }
0x59: {  	(erf) = vrcp.f32 v33;
	_ =	sdelay $0x2  }
0x5a: {  	v34 =	vpop (erf)  }
0x5b: {  	[tilespmem:s28+$0x8280] =	vst v34;
	v35 =	vpop (erf)  }
0x5c: {  	[tilespmem:s28+$0x8180] =	vst v35;
	v36 =	vpop (erf)  }
0x5d: {  	[tilespmem:s28+$0x8380] =	vst v36;
	v37 =	vpop (erf)  }
0x5e: {  	[tilespmem:s28+$0x8300] =	vst v37;
	v38 =	vpop (erf)  }
0x5f: {  	[tilespmem:s28+$0x8100] =	vst v38;
	v39 =	vpop (erf)  }
0x60: {  	s29 =	sor.u32 s3, s3;
	[tilespmem:s28+$0x8080] =	vst v39;
	v40 =	vpop (erf)  }
0x61: {  	s30 =	sor.u32 $0x380, s29;
	[tilespmem:s28+$0x8200] =	vst v40  }
0x62: {  	v0 =	vld [tilespmem:s30+$0x80];
	_ =	sdelay $0x4  }
0x63: {  	v0 =	vmul.f32 $-2.000000000e+00, v0;
	_ =	sdelay $0x1  }
0x64: {  	v0 =	vmul.f32 $1.442695020e+00, v0;
	_ =	sdelay $0x1  }
0x65: {  	(erf) = vpow2.f32 v0;
	_ =	sdelay $0x8  }
0x66: {  	v0 =	vpop (erf)  }
0x67: {  	v0 =	vadd.f32 $1.000000000e+00, v0;
	_ =	sdelay $0x1  }
0x68: {  	(erf) = vrcp.f32 v0;
	_ =	sdelay $0x8  }
0x69: {  	v0 =	vpop (erf)  }
0x6a: {  	[tilespmem:s30+$0x8080] =	vst v0  }
0x6b: {  	v0 =	vld [tilespmem:s28+$0x2300]  }
0x6c: {  	v41 =	vld [tilespmem:s28+$0x2180]  }
0x6d: {  	v42 =	vld [tilespmem:s28+$0x2280]  }
0x6e: {  	v43 =	vld [tilespmem:s28+$0x2100]  }
0x6f: {  	v44 =	vld [tilespmem:s28+$0x2200]  }
0x70: {  	v45 =	vld [tilespmem:s28+$0x2380]  }
0x71: {  	v46 =	vld [tilespmem:s28+$0x2080]  }
0x72: {  	v0 =	vmul.f32 $-2.000000000e+00, v0  }
0x73: {  	v1 =	vmul.f32 $-2.000000000e+00, v41;
	v3 =	vmul.f32 $-2.000000000e+00, v43  }
0x74: {  	v2 =	vmul.f32 $-2.000000000e+00, v42;
	v4 =	vmul.f32 $-2.000000000e+00, v44  }
0x75: {  	v47 =	vmul.f32 $-2.000000000e+00, v45;
	v1 =	vmul.f32 $1.442695020e+00, v1  }
0x76: {  	v48 =	vmul.f32 $-2.000000000e+00, v46;
	v2 =	vmul.f32 $1.442695020e+00, v2  }
0x77: {  	v3 =	vmul.f32 $1.442695020e+00, v3;
	(erf) = vpow2.f32 v1  }
0x78: {  	v4 =	vmul.f32 $1.442695020e+00, v4;
	(erf) = vpow2.f32 v2  }
0x79: {  	v0 =	vmul.f32 $1.442695020e+00, v0;
	(erf) = vpow2.f32 v3  }
0x7a: {  	v1 =	vmul.f32 $1.442695020e+00, v47;
	(erf) = vpow2.f32 v4  }
0x7b: {  	v2 =	vmul.f32 $1.442695020e+00, v48;
	(erf) = vpow2.f32 v0  }
0x7c: {  	(erf) = vpow2.f32 v1  }
0x7d: {  	(erf) = vpow2.f32 v2;
	_ =	sdelay $0x2  }
0x7e: {  	v49 =	vpop (erf)  }
0x7f: {  	v0 =	vadd.f32 $1.000000000e+00, v49;
	v50 =	vpop (erf)  }
0x80: {  	v1 =	vadd.f32 $1.000000000e+00, v50;
	v51 =	vpop (erf)  }
0x81: {  	v2 =	vadd.f32 $1.000000000e+00, v51;
	(erf) = vrcp.f32 v0;
	v52 =	vpop (erf)  }
0x82: {  	v0 =	vadd.f32 $1.000000000e+00, v52;
	(erf) = vrcp.f32 v1;
	v53 =	vpop (erf)  }
0x83: {  	v1 =	vadd.f32 $1.000000000e+00, v53;
	(erf) = vrcp.f32 v2;
	v54 =	vpop (erf)  }
0x84: {  	v2 =	vadd.f32 $1.000000000e+00, v54;
	v55 =	vpop (erf);
	(erf) = vrcp.f32 v0  }
0x85: {  	v56 =	vadd.f32 $1.000000000e+00, v55;
	(erf) = vrcp.f32 v1  }
0x86: {  	(erf) = vrcp.f32 v2  }
0x87: {  	(erf) = vrcp.f32 v56;
	_ =	sdelay $0x2  }
0x88: {  	v57 =	vpop (erf)  }
0x89: {  	[tilespmem:s28+$0xA180] =	vst v57;
	v58 =	vpop (erf)  }
0x8a: {  	[tilespmem:s28+$0xA280] =	vst v58;
	v59 =	vpop (erf)  }
0x8b: {  	[tilespmem:s28+$0xA100] =	vst v59;
	v60 =	vpop (erf)  }
0x8c: {  	[tilespmem:s28+$0xA200] =	vst v60;
	v61 =	vpop (erf)  }
0x8d: {  	[tilespmem:s28+$0xA300] =	vst v61;
	v62 =	vpop (erf)  }
0x8e: {  	[tilespmem:s28+$0xA380] =	vst v62;
	v63 =	vpop (erf)  }
0x8f: {  	s8 =	sor.u32 $0x2380, s29;
	[tilespmem:s28+$0xA080] =	vst v63  }
0x90: {  	v0 =	vld [tilespmem:s8+$0x80];
	_ =	sdelay $0x4  }
0x91: {  	v0 =	vmul.f32 $-2.000000000e+00, v0;
	_ =	sdelay $0x1  }
0x92: {  	s31 =	sshll.u32 s1, $0xB;
	v0 =	vmul.f32 $1.442695020e+00, v0  }
0x93: {  	s2 =	sadd.s32 s31, s2  }
0x94: {  	s5 =	simm.s32 $0x10;
	s4 =	sadd.s32 $0xA00, s2;
	s2 =	sadd.s32 $0x7200, s2;
	(erf) = vpow2.f32 v0  }
.LBB2_2:
0x95: {  	_ =	sdelay $0x3  }
0x96: {  	p0 =	sne.s32 s5, $0x3F0  }
0x97: {  	s3 =	sadd.s32 $0x80, s3;
	s7 =	smov.u32 s5;
	s5 =	sadd.s32 $0x10, s5  }
0x98: {  	_ =	sdelay $0x1  }
0x99: {  	v0 =	vpop (erf)  }
0x9a: {  	v0 =	vadd.f32 $1.000000000e+00, v0;
	_ =	sdelay $0x1  }
0x9b: {  	(erf) = vrcp.f32 v0;
	_ =	sdelay $0x8  }
0x9c: {  	s6 =	sand.u32 $0x70, s7;
	s9 =	sand.u32 $0x1C00, s3;
	v0 =	vpop (erf)  }
0x9d: {  	s6 =	sor.u32 s6, s9;
	[tilespmem:s8+$0x8080] =	vst v0  }
0x9e: {  	v0 =	vld [tilespmem:s6+$0x380]  }
0x9f: {  	v1 =	vld [tilespmem:s6+$0x280]  }
0xa0: {  	v2 =	vld [tilespmem:s6+$0x180]  }
0xa1: {  	v3 =	vld [tilespmem:s6+$0x100]  }
0xa2: {  	v4 =	vld [tilespmem:s6+$0x80]  }
0xa3: {  	v5 =	vld [tilespmem:s6+$0x300];
	v0 =	vmul.f32 $-2.000000000e+00, v0  }
0xa4: {  	v6 =	vld [tilespmem:s6+$0x200];
	v1 =	vmul.f32 $-2.000000000e+00, v1  }
0xa5: {  	v2 =	vmul.f32 $-2.000000000e+00, v2;
	v0 =	vmul.f32 $1.442695020e+00, v0  }
0xa6: {  	v3 =	vmul.f32 $-2.000000000e+00, v3;
	v1 =	vmul.f32 $1.442695020e+00, v1  }
0xa7: {  	v4 =	vmul.f32 $-2.000000000e+00, v4;
	v2 =	vmul.f32 $1.442695020e+00, v2  }
0xa8: {  	v5 =	vmul.f32 $-2.000000000e+00, v5;
	(erf) = vpow2.f32 v1  }
0xa9: {  	v1 =	vmul.f32 $1.442695020e+00, v3;
	(erf) = vpow2.f32 v2  }
0xaa: {  	v2 =	vmul.f32 $1.442695020e+00, v4;
	v3 =	vmul.f32 $1.442695020e+00, v5  }
0xab: {  	v4 =	vmul.f32 $-2.000000000e+00, v6;
	(erf) = vpow2.f32 v0  }
0xac: {  	(erf) = vpow2.f32 v3  }
0xad: {  	v0 =	vmul.f32 $1.442695020e+00, v4;
	(erf) = vpow2.f32 v1  }
0xae: {  	(erf) = vpow2.f32 v2  }
0xaf: {  	(erf) = vpow2.f32 v0;
	_ =	sdelay $0x1  }
0xb0: {  	v0 =	vpop (erf)  }
0xb1: {  	v3 =	vadd.f32 $1.000000000e+00, v0;
	v1 =	vpop (erf);
	_ =	sdelay $0x1  }
0xb2: {  	v1 =	vadd.f32 $1.000000000e+00, v1;
	(erf) = vrcp.f32 v3;
	v0 =	vpop (erf)  }
0xb3: {  	v0 =	vadd.f32 $1.000000000e+00, v0;
	v2 =	vpop (erf)  }
0xb4: {  	v2 =	vadd.f32 $1.000000000e+00, v2;
	v3 =	vpop (erf);
	(erf) = vrcp.f32 v1  }
0xb5: {  	v1 =	vadd.f32 $1.000000000e+00, v3;
	v3 =	vpop (erf);
	(erf) = vrcp.f32 v0  }
0xb6: {  	v0 =	vadd.f32 $1.000000000e+00, v3;
	v3 =	vpop (erf);
	(erf) = vrcp.f32 v2  }
0xb7: {  	v2 =	vadd.f32 $1.000000000e+00, v3;
	(erf) = vrcp.f32 v1  }
0xb8: {  	(erf) = vrcp.f32 v0  }
0xb9: {  	(erf) = vrcp.f32 v2;
	_ =	sdelay $0x1  }
0xba: {  	v0 =	vpop (erf);
	_ =	sdelay $0x1  }
0xbb: {  	[tilespmem:s6+$0x8280] =	vst v0;
	v0 =	vpop (erf)  }
0xbc: {  	[tilespmem:s6+$0x8180] =	vst v0;
	v0 =	vpop (erf)  }
0xbd: {  	[tilespmem:s6+$0x8380] =	vst v0;
	v0 =	vpop (erf)  }
0xbe: {  	[tilespmem:s6+$0x8300] =	vst v0;
	v0 =	vpop (erf)  }
0xbf: {  	[tilespmem:s6+$0x8100] =	vst v0;
	v0 =	vpop (erf)  }
0xc0: {  	s7 =	sor.u32 s7, s3;
	[tilespmem:s6+$0x8080] =	vst v0;
	v0 =	vpop (erf)  }
0xc1: {  	s8 =	sor.u32 $0x380, s7;
	[tilespmem:s6+$0x8200] =	vst v0  }
0xc2: {  	v0 =	vld [tilespmem:s8+$0x80];
	_ =	sdelay $0x4  }
0xc3: {  	v0 =	vmul.f32 $-2.000000000e+00, v0;
	_ =	sdelay $0x1  }
0xc4: {  	v0 =	vmul.f32 $1.442695020e+00, v0;
	_ =	sdelay $0x1  }
0xc5: {  	(erf) = vpow2.f32 v0;
	_ =	sdelay $0x8  }
0xc6: {  	v0 =	vpop (erf)  }
0xc7: {  	v0 =	vadd.f32 $1.000000000e+00, v0;
	_ =	sdelay $0x1  }
0xc8: {  	(erf) = vrcp.f32 v0;
	_ =	sdelay $0x8  }
0xc9: {  	v0 =	vpop (erf)  }
0xca: {  	[tilespmem:s8+$0x8080] =	vst v0  }
0xcb: {  	v0 =	vld [tilespmem:s6+$0x2300]  }
0xcc: {  	v1 =	vld [tilespmem:s6+$0x2180]  }
0xcd: {  	v2 =	vld [tilespmem:s6+$0x2280]  }
0xce: {  	v3 =	vld [tilespmem:s6+$0x2100]  }
0xcf: {  	v4 =	vld [tilespmem:s6+$0x2200]  }
0xd0: {  	v5 =	vld [tilespmem:s6+$0x2080];
	v0 =	vmul.f32 $-2.000000000e+00, v0  }
0xd1: {  	v6 =	vld [tilespmem:s6+$0x2380]  }
0xd2: {  	v1 =	vmul.f32 $-2.000000000e+00, v1;
	v0 =	vmul.f32 $1.442695020e+00, v0  }
0xd3: {  	v2 =	vmul.f32 $-2.000000000e+00, v2;
	v3 =	vmul.f32 $-2.000000000e+00, v3  }
0xd4: {  	v1 =	vmul.f32 $1.442695020e+00, v1;
	v4 =	vmul.f32 $-2.000000000e+00, v4  }
0xd5: {  	v2 =	vmul.f32 $1.442695020e+00, v2;
	v3 =	vmul.f32 $1.442695020e+00, v3  }
0xd6: {  	v4 =	vmul.f32 $1.442695020e+00, v4;
	(erf) = vpow2.f32 v1  }
0xd7: {  	v1 =	vmul.f32 $-2.000000000e+00, v6;
	(erf) = vpow2.f32 v2  }
0xd8: {  	v2 =	vmul.f32 $-2.000000000e+00, v5;
	(erf) = vpow2.f32 v3  }
0xd9: {  	v1 =	vmul.f32 $1.442695020e+00, v1;
	(erf) = vpow2.f32 v4  }
0xda: {  	v2 =	vmul.f32 $1.442695020e+00, v2;
	(erf) = vpow2.f32 v0  }
0xdb: {  	(erf) = vpow2.f32 v1  }
0xdc: {  	(erf) = vpow2.f32 v2;
	_ =	sdelay $0x2  }
0xdd: {  	v0 =	vpop (erf)  }
0xde: {  	v3 =	vadd.f32 $1.000000000e+00, v0;
	v1 =	vpop (erf)  }
0xdf: {  	v4 =	vadd.f32 $1.000000000e+00, v1;
	v2 =	vpop (erf)  }
0xe0: {  	v5 =	vadd.f32 $1.000000000e+00, v2;
	(erf) = vrcp.f32 v3;
	v0 =	vpop (erf)  }
0xe1: {  	v0 =	vadd.f32 $1.000000000e+00, v0;
	(erf) = vrcp.f32 v4;
	v1 =	vpop (erf)  }
0xe2: {  	v1 =	vadd.f32 $1.000000000e+00, v1;
	(erf) = vrcp.f32 v5;
	v2 =	vpop (erf)  }
0xe3: {  	v2 =	vadd.f32 $1.000000000e+00, v2;
	v3 =	vpop (erf);
	(erf) = vrcp.f32 v0  }
0xe4: {  	v0 =	vadd.f32 $1.000000000e+00, v3;
	(erf) = vrcp.f32 v1  }
0xe5: {  	(erf) = vrcp.f32 v2  }
0xe6: {  	(erf) = vrcp.f32 v0;
	_ =	sdelay $0x2  }
0xe7: {  	v0 =	vpop (erf)  }
0xe8: {  	[tilespmem:s6+$0xA180] =	vst v0;
	v0 =	vpop (erf)  }
0xe9: {  	[tilespmem:s6+$0xA280] =	vst v0;
	v0 =	vpop (erf)  }
0xea: {  	[tilespmem:s6+$0xA100] =	vst v0;
	v0 =	vpop (erf)  }
0xeb: {  	[tilespmem:s6+$0xA200] =	vst v0;
	v0 =	vpop (erf)  }
0xec: {  	[tilespmem:s6+$0xA300] =	vst v0;
	v0 =	vpop (erf)  }
0xed: {  	[tilespmem:s6+$0xA380] =	vst v0;
	v0 =	vpop (erf)  }
0xee: {  	s8 =	sor.u32 $0x2380, s7;
	[tilespmem:s6+$0xA080] =	vst v0  }
0xef: {  	v0 =	vld [tilespmem:s8+$0x80];
	_ =	sdelay $0x4  }
.Ltmp1:
0xf0: {  	v0 =	vmul.f32 $-2.000000000e+00, v0;
	(pc) =	sbr.rel @p0 .LBB2_2-.Ltmp1, $3  }
0xf1: {  	_ = 	snop  }
0xf2: {  	v0 =	vmul.f32 $1.442695020e+00, v0;
	_ =	sdelay $0x1  }
0xf3: {  	(erf) = vpow2.f32 v0  }
0xf4: {  	_ =	sdelay $0x7  }
0xf5: {  	v0 =	vpop (erf)  }
0xf6: {  	v0 =	vadd.f32 $1.000000000e+00, v0;
	_ =	sdelay $0x1  }
0xf7: {  	(erf) = vrcp.f32 v0;
	_ =	sdelay $0x8  }
0xf8: {  	v0 =	vpop (erf)  }
0xf9: {  	s3 =	simm.s32 $0x2;
	[tilespmem:s8+$0x8080] =	vst v0  }
0xfa: {  	_ =	swait.ge [sflag:s3], $0x4000  }
0xfb: {  	s5 =	simm.s32 $0x8080;
	[sflag:s3] =	ssyncset.done $0x0  }
0xfc: {  	s26 =	simm.s32 $0x3;
	[sflag:s3] =	ssyncadd.s32 $0xFFFFC000;
	s3 =	simm.s32 $0x0  }
0xfd: {  	[hbm4b:s4+s3] =	stream.linear.scatter [tilespmem:s5], [sflag:$0x3], $0x4000, $0x38;
	[tilespmem:$0x10080] =	vst v63  }
0xfe: {  	_ =	swait.ge [sflag:s26], $0x4000  }
0xff: {  	s28 =	sand.u32 $0x70, s3;
	s6 =	sand.u32 $0x1C00, s3;
	[sflag:s26] =	ssyncset.done $0x0  }
0x100: {  	s29 =	sor.u32 s28, s6;
	[sflag:s26] =	ssyncadd.s32 $0xFFFFC000  }
0x101: {  	v17 =	vld [tilespmem:s29+$0x4380]  }
0x102: {  	v1 =	vld [tilespmem:s29+$0x4280]  }
0x103: {  	v2 =	vld [tilespmem:s29+$0x4180]  }
0x104: {  	v3 =	vld [tilespmem:s29+$0x4100]  }
0x105: {  	v4 =	vld [tilespmem:s29+$0x4080]  }
0x106: {  	v5 =	vld [tilespmem:s29+$0x4300]  }
0x107: {  	v6 =	vld [tilespmem:s29+$0x4200]  }
0x108: {  	v0 =	vmul.f32 $-2.000000000e+00, v17  }
0x109: {  	v1 =	vmul.f32 $-2.000000000e+00, v1;
	v2 =	vmul.f32 $-2.000000000e+00, v2  }
0x10a: {  	v3 =	vmul.f32 $-2.000000000e+00, v3;
	v4 =	vmul.f32 $-2.000000000e+00, v4  }
0x10b: {  	v5 =	vmul.f32 $-2.000000000e+00, v5;
	v1 =	vmul.f32 $1.442695020e+00, v1  }
0x10c: {  	v20 =	vmul.f32 $-2.000000000e+00, v6;
	v2 =	vmul.f32 $1.442695020e+00, v2  }
0x10d: {  	v0 =	vmul.f32 $1.442695020e+00, v0;
	(erf) = vpow2.f32 v1  }
0x10e: {  	v19 =	vmul.f32 $1.442695020e+00, v5;
	(erf) = vpow2.f32 v2  }
0x10f: {  	v18 =	vmul.f32 $1.442695020e+00, v3;
	(erf) = vpow2.f32 v0  }
0x110: {  	v21 =	vmul.f32 $1.442695020e+00, v4;
	(erf) = vpow2.f32 v19  }
0x111: {  	v22 =	vmul.f32 $1.442695020e+00, v20;
	(erf) = vpow2.f32 v18  }
0x112: {  	(erf) = vpow2.f32 v21  }
0x113: {  	(erf) = vpow2.f32 v22;
	_ =	sdelay $0x2  }
0x114: {  	v23 =	vpop (erf)  }
0x115: {  	v0 =	vadd.f32 $1.000000000e+00, v23;
	v24 =	vpop (erf)  }
0x116: {  	v1 =	vadd.f32 $1.000000000e+00, v24;
	v25 =	vpop (erf)  }
0x117: {  	(erf) = vrcp.f32 v0;
	v26 =	vadd.f32 $1.000000000e+00, v25;
	v27 =	vpop (erf)  }
0x118: {  	v2 =	vadd.f32 $1.000000000e+00, v27;
	v28 =	vpop (erf);
	(erf) = vrcp.f32 v1  }
0x119: {  	v29 =	vadd.f32 $1.000000000e+00, v28;
	v30 =	vpop (erf);
	(erf) = vrcp.f32 v26  }
0x11a: {  	v31 =	vadd.f32 $1.000000000e+00, v30;
	v32 =	vpop (erf);
	(erf) = vrcp.f32 v2  }
0x11b: {  	v33 =	vadd.f32 $1.000000000e+00, v32;
	(erf) = vrcp.f32 v29  }
0x11c: {  	(erf) = vrcp.f32 v31  }
0x11d: {  	(erf) = vrcp.f32 v33;
	_ =	sdelay $0x2  }
0x11e: {  	v34 =	vpop (erf)  }
0x11f: {  	[tilespmem:s29+$0xC280] =	vst v34;
	v35 =	vpop (erf)  }
0x120: {  	[tilespmem:s29+$0xC180] =	vst v35;
	v36 =	vpop (erf)  }
0x121: {  	[tilespmem:s29+$0xC380] =	vst v36;
	v37 =	vpop (erf)  }
0x122: {  	[tilespmem:s29+$0xC300] =	vst v37;
	v38 =	vpop (erf)  }
0x123: {  	[tilespmem:s29+$0xC100] =	vst v38;
	v39 =	vpop (erf)  }
0x124: {  	s30 =	sor.u32 s3, s3;
	[tilespmem:s29+$0xC080] =	vst v39;
	v40 =	vpop (erf)  }
0x125: {  	s31 =	sor.u32 $0x380, s30;
	[tilespmem:s29+$0xC200] =	vst v40  }
0x126: {  	v0 =	vld [tilespmem:s31+$0x4080];
	_ =	sdelay $0x4  }
0x127: {  	v0 =	vmul.f32 $-2.000000000e+00, v0;
	_ =	sdelay $0x1  }
0x128: {  	v0 =	vmul.f32 $1.442695020e+00, v0;
	_ =	sdelay $0x1  }
0x129: {  	(erf) = vpow2.f32 v0;
	_ =	sdelay $0x8  }
0x12a: {  	v0 =	vpop (erf)  }
0x12b: {  	v0 =	vadd.f32 $1.000000000e+00, v0;
	_ =	sdelay $0x1  }
0x12c: {  	(erf) = vrcp.f32 v0;
	_ =	sdelay $0x8  }
0x12d: {  	v0 =	vpop (erf)  }
0x12e: {  	[tilespmem:s31+$0xC080] =	vst v0  }
0x12f: {  	v0 =	vld [tilespmem:s29+$0x6300]  }
0x130: {  	v41 =	vld [tilespmem:s29+$0x6180]  }
0x131: {  	v42 =	vld [tilespmem:s29+$0x6280]  }
0x132: {  	v43 =	vld [tilespmem:s29+$0x6100]  }
0x133: {  	v44 =	vld [tilespmem:s29+$0x6200]  }
0x134: {  	v45 =	vld [tilespmem:s29+$0x6380]  }
0x135: {  	v46 =	vld [tilespmem:s29+$0x6080]  }
0x136: {  	v0 =	vmul.f32 $-2.000000000e+00, v0  }
0x137: {  	v1 =	vmul.f32 $-2.000000000e+00, v41;
	v3 =	vmul.f32 $-2.000000000e+00, v43  }
0x138: {  	v2 =	vmul.f32 $-2.000000000e+00, v42;
	v4 =	vmul.f32 $-2.000000000e+00, v44  }
0x139: {  	v47 =	vmul.f32 $-2.000000000e+00, v45;
	v1 =	vmul.f32 $1.442695020e+00, v1  }
0x13a: {  	v48 =	vmul.f32 $-2.000000000e+00, v46;
	v2 =	vmul.f32 $1.442695020e+00, v2  }
0x13b: {  	v3 =	vmul.f32 $1.442695020e+00, v3;
	(erf) = vpow2.f32 v1  }
0x13c: {  	v4 =	vmul.f32 $1.442695020e+00, v4;
	(erf) = vpow2.f32 v2  }
0x13d: {  	v0 =	vmul.f32 $1.442695020e+00, v0;
	(erf) = vpow2.f32 v3  }
0x13e: {  	v1 =	vmul.f32 $1.442695020e+00, v47;
	(erf) = vpow2.f32 v4  }
0x13f: {  	v2 =	vmul.f32 $1.442695020e+00, v48;
	(erf) = vpow2.f32 v0  }
0x140: {  	(erf) = vpow2.f32 v1  }
0x141: {  	(erf) = vpow2.f32 v2;
	_ =	sdelay $0x2  }
0x142: {  	v49 =	vpop (erf)  }
0x143: {  	v0 =	vadd.f32 $1.000000000e+00, v49;
	v50 =	vpop (erf)  }
0x144: {  	v1 =	vadd.f32 $1.000000000e+00, v50;
	v51 =	vpop (erf)  }
0x145: {  	v2 =	vadd.f32 $1.000000000e+00, v51;
	(erf) = vrcp.f32 v0;
	v52 =	vpop (erf)  }
0x146: {  	v0 =	vadd.f32 $1.000000000e+00, v52;
	(erf) = vrcp.f32 v1;
	v53 =	vpop (erf)  }
0x147: {  	v1 =	vadd.f32 $1.000000000e+00, v53;
	(erf) = vrcp.f32 v2;
	v54 =	vpop (erf)  }
0x148: {  	v2 =	vadd.f32 $1.000000000e+00, v54;
	v55 =	vpop (erf);
	(erf) = vrcp.f32 v0  }
0x149: {  	v56 =	vadd.f32 $1.000000000e+00, v55;
	(erf) = vrcp.f32 v1  }
0x14a: {  	(erf) = vrcp.f32 v2  }
0x14b: {  	(erf) = vrcp.f32 v56;
	_ =	sdelay $0x2  }
0x14c: {  	v57 =	vpop (erf)  }
0x14d: {  	[tilespmem:s29+$0xE180] =	vst v57;
	v58 =	vpop (erf)  }
0x14e: {  	[tilespmem:s29+$0xE280] =	vst v58;
	v59 =	vpop (erf)  }
0x14f: {  	[tilespmem:s29+$0xE100] =	vst v59;
	v60 =	vpop (erf)  }
0x150: {  	[tilespmem:s29+$0xE200] =	vst v60;
	v61 =	vpop (erf)  }
0x151: {  	[tilespmem:s29+$0xE300] =	vst v61;
	v62 =	vpop (erf)  }
0x152: {  	[tilespmem:s29+$0xE380] =	vst v62;
	v63 =	vpop (erf)  }
0x153: {  	s7 =	sor.u32 $0x2380, s30;
	[tilespmem:s29+$0xE080] =	vst v63  }
0x154: {  	v0 =	vld [tilespmem:s7+$0x4080];
	_ =	sdelay $0x4  }
0x155: {  	v0 =	vmul.f32 $-2.000000000e+00, v0;
	_ =	sdelay $0x1  }
0x156: {  	v0 =	vmul.f32 $1.442695020e+00, v0;
	_ =	sdelay $0x1  }
0x157: {  	s4 =	simm.s32 $0x10;
	(erf) = vpow2.f32 v0  }
.LBB2_4:
0x158: {  	_ =	sdelay $0x3  }
0x159: {  	p0 =	sne.s32 s4, $0x3F0  }
0x15a: {  	s3 =	sadd.s32 $0x80, s3;
	s6 =	smov.u32 s4;
	s4 =	sadd.s32 $0x10, s4  }
0x15b: {  	_ =	sdelay $0x1  }
0x15c: {  	v0 =	vpop (erf)  }
0x15d: {  	v0 =	vadd.f32 $1.000000000e+00, v0;
	_ =	sdelay $0x1  }
0x15e: {  	(erf) = vrcp.f32 v0;
	_ =	sdelay $0x8  }
0x15f: {  	s5 =	sand.u32 $0x70, s6;
	s8 =	sand.u32 $0x1C00, s3;
	v0 =	vpop (erf)  }
0x160: {  	s5 =	sor.u32 s5, s8;
	[tilespmem:s7+$0xC080] =	vst v0  }
0x161: {  	v0 =	vld [tilespmem:s5+$0x4380]  }
0x162: {  	v1 =	vld [tilespmem:s5+$0x4280]  }
0x163: {  	v2 =	vld [tilespmem:s5+$0x4180]  }
0x164: {  	v3 =	vld [tilespmem:s5+$0x4100]  }
0x165: {  	v4 =	vld [tilespmem:s5+$0x4080]  }
0x166: {  	v5 =	vld [tilespmem:s5+$0x4300];
	v0 =	vmul.f32 $-2.000000000e+00, v0  }
0x167: {  	v6 =	vld [tilespmem:s5+$0x4200];
	v1 =	vmul.f32 $-2.000000000e+00, v1  }
0x168: {  	v2 =	vmul.f32 $-2.000000000e+00, v2;
	v0 =	vmul.f32 $1.442695020e+00, v0  }
0x169: {  	v3 =	vmul.f32 $-2.000000000e+00, v3;
	v1 =	vmul.f32 $1.442695020e+00, v1  }
0x16a: {  	v4 =	vmul.f32 $-2.000000000e+00, v4;
	v2 =	vmul.f32 $1.442695020e+00, v2  }
0x16b: {  	v5 =	vmul.f32 $-2.000000000e+00, v5;
	(erf) = vpow2.f32 v1  }
0x16c: {  	v1 =	vmul.f32 $1.442695020e+00, v3;
	(erf) = vpow2.f32 v2  }
0x16d: {  	v2 =	vmul.f32 $1.442695020e+00, v4;
	v3 =	vmul.f32 $1.442695020e+00, v5  }
0x16e: {  	v4 =	vmul.f32 $-2.000000000e+00, v6;
	(erf) = vpow2.f32 v0  }
0x16f: {  	(erf) = vpow2.f32 v3  }
0x170: {  	v0 =	vmul.f32 $1.442695020e+00, v4;
	(erf) = vpow2.f32 v1  }
0x171: {  	(erf) = vpow2.f32 v2  }
0x172: {  	(erf) = vpow2.f32 v0;
	_ =	sdelay $0x1  }
0x173: {  	v0 =	vpop (erf)  }
0x174: {  	v3 =	vadd.f32 $1.000000000e+00, v0;
	v1 =	vpop (erf);
	_ =	sdelay $0x1  }
0x175: {  	v1 =	vadd.f32 $1.000000000e+00, v1;
	(erf) = vrcp.f32 v3;
	v0 =	vpop (erf)  }
0x176: {  	v0 =	vadd.f32 $1.000000000e+00, v0;
	v2 =	vpop (erf)  }
0x177: {  	v2 =	vadd.f32 $1.000000000e+00, v2;
	v3 =	vpop (erf);
	(erf) = vrcp.f32 v1  }
0x178: {  	v1 =	vadd.f32 $1.000000000e+00, v3;
	v3 =	vpop (erf);
	(erf) = vrcp.f32 v0  }
0x179: {  	v0 =	vadd.f32 $1.000000000e+00, v3;
	v3 =	vpop (erf);
	(erf) = vrcp.f32 v2  }
0x17a: {  	v2 =	vadd.f32 $1.000000000e+00, v3;
	(erf) = vrcp.f32 v1  }
0x17b: {  	(erf) = vrcp.f32 v0  }
0x17c: {  	(erf) = vrcp.f32 v2;
	_ =	sdelay $0x1  }
0x17d: {  	v0 =	vpop (erf);
	_ =	sdelay $0x1  }
0x17e: {  	[tilespmem:s5+$0xC280] =	vst v0;
	v0 =	vpop (erf)  }
0x17f: {  	[tilespmem:s5+$0xC180] =	vst v0;
	v0 =	vpop (erf)  }
0x180: {  	[tilespmem:s5+$0xC380] =	vst v0;
	v0 =	vpop (erf)  }
0x181: {  	[tilespmem:s5+$0xC300] =	vst v0;
	v0 =	vpop (erf)  }
0x182: {  	[tilespmem:s5+$0xC100] =	vst v0;
	v0 =	vpop (erf)  }
0x183: {  	s6 =	sor.u32 s6, s3;
	[tilespmem:s5+$0xC080] =	vst v0;
	v0 =	vpop (erf)  }
0x184: {  	s7 =	sor.u32 $0x380, s6;
	[tilespmem:s5+$0xC200] =	vst v0  }
0x185: {  	v0 =	vld [tilespmem:s7+$0x4080];
	_ =	sdelay $0x4  }
0x186: {  	v0 =	vmul.f32 $-2.000000000e+00, v0;
	_ =	sdelay $0x1  }
0x187: {  	v0 =	vmul.f32 $1.442695020e+00, v0;
	_ =	sdelay $0x1  }
0x188: {  	(erf) = vpow2.f32 v0;
	_ =	sdelay $0x8  }
0x189: {  	v0 =	vpop (erf)  }
0x18a: {  	v0 =	vadd.f32 $1.000000000e+00, v0;
	_ =	sdelay $0x1  }
0x18b: {  	(erf) = vrcp.f32 v0;
	_ =	sdelay $0x8  }
0x18c: {  	v0 =	vpop (erf)  }
0x18d: {  	[tilespmem:s7+$0xC080] =	vst v0  }
0x18e: {  	v0 =	vld [tilespmem:s5+$0x6300]  }
0x18f: {  	v1 =	vld [tilespmem:s5+$0x6180]  }
0x190: {  	v2 =	vld [tilespmem:s5+$0x6280]  }
0x191: {  	v3 =	vld [tilespmem:s5+$0x6100]  }
0x192: {  	v4 =	vld [tilespmem:s5+$0x6200]  }
0x193: {  	v5 =	vld [tilespmem:s5+$0x6080];
	v0 =	vmul.f32 $-2.000000000e+00, v0  }
0x194: {  	v6 =	vld [tilespmem:s5+$0x6380]  }
0x195: {  	v1 =	vmul.f32 $-2.000000000e+00, v1;
	v0 =	vmul.f32 $1.442695020e+00, v0  }
0x196: {  	v2 =	vmul.f32 $-2.000000000e+00, v2;
	v3 =	vmul.f32 $-2.000000000e+00, v3  }
0x197: {  	v1 =	vmul.f32 $1.442695020e+00, v1;
	v4 =	vmul.f32 $-2.000000000e+00, v4  }
0x198: {  	v2 =	vmul.f32 $1.442695020e+00, v2;
	v3 =	vmul.f32 $1.442695020e+00, v3  }
0x199: {  	v4 =	vmul.f32 $1.442695020e+00, v4;
	(erf) = vpow2.f32 v1  }
0x19a: {  	v1 =	vmul.f32 $-2.000000000e+00, v6;
	(erf) = vpow2.f32 v2  }
0x19b: {  	v2 =	vmul.f32 $-2.000000000e+00, v5;
	(erf) = vpow2.f32 v3  }
0x19c: {  	v1 =	vmul.f32 $1.442695020e+00, v1;
	(erf) = vpow2.f32 v4  }
0x19d: {  	v2 =	vmul.f32 $1.442695020e+00, v2;
	(erf) = vpow2.f32 v0  }
0x19e: {  	(erf) = vpow2.f32 v1  }
0x19f: {  	(erf) = vpow2.f32 v2;
	_ =	sdelay $0x2  }
0x1a0: {  	v0 =	vpop (erf)  }
0x1a1: {  	v3 =	vadd.f32 $1.000000000e+00, v0;
	v1 =	vpop (erf)  }
0x1a2: {  	v4 =	vadd.f32 $1.000000000e+00, v1;
	v2 =	vpop (erf)  }
0x1a3: {  	v5 =	vadd.f32 $1.000000000e+00, v2;
	(erf) = vrcp.f32 v3;
	v0 =	vpop (erf)  }
0x1a4: {  	v0 =	vadd.f32 $1.000000000e+00, v0;
	(erf) = vrcp.f32 v4;
	v1 =	vpop (erf)  }
0x1a5: {  	v1 =	vadd.f32 $1.000000000e+00, v1;
	(erf) = vrcp.f32 v5;
	v2 =	vpop (erf)  }
0x1a6: {  	v2 =	vadd.f32 $1.000000000e+00, v2;
	v3 =	vpop (erf);
	(erf) = vrcp.f32 v0  }
0x1a7: {  	v0 =	vadd.f32 $1.000000000e+00, v3;
	(erf) = vrcp.f32 v1  }
0x1a8: {  	(erf) = vrcp.f32 v2  }
0x1a9: {  	(erf) = vrcp.f32 v0;
	_ =	sdelay $0x2  }
0x1aa: {  	v0 =	vpop (erf)  }
0x1ab: {  	[tilespmem:s5+$0xE180] =	vst v0;
	v0 =	vpop (erf)  }
0x1ac: {  	[tilespmem:s5+$0xE280] =	vst v0;
	v0 =	vpop (erf)  }
0x1ad: {  	[tilespmem:s5+$0xE100] =	vst v0;
	v0 =	vpop (erf)  }
0x1ae: {  	[tilespmem:s5+$0xE200] =	vst v0;
	v0 =	vpop (erf)  }
0x1af: {  	[tilespmem:s5+$0xE300] =	vst v0;
	v0 =	vpop (erf)  }
0x1b0: {  	[tilespmem:s5+$0xE380] =	vst v0;
	v0 =	vpop (erf)  }
0x1b1: {  	s7 =	sor.u32 $0x2380, s6;
	[tilespmem:s5+$0xE080] =	vst v0  }
0x1b2: {  	v0 =	vld [tilespmem:s7+$0x4080];
	_ =	sdelay $0x4  }
.Ltmp2:
0x1b3: {  	v0 =	vmul.f32 $-2.000000000e+00, v0;
	(pc) =	sbr.rel @p0 .LBB2_4-.Ltmp2, $3  }
0x1b4: {  	_ = 	snop  }
0x1b5: {  	v0 =	vmul.f32 $1.442695020e+00, v0;
	_ =	sdelay $0x1  }
0x1b6: {  	(erf) = vpow2.f32 v0  }
0x1b7: {  	_ =	sdelay $0x7  }
0x1b8: {  	v0 =	vpop (erf)  }
0x1b9: {  	v0 =	vadd.f32 $1.000000000e+00, v0;
	_ =	sdelay $0x1  }
0x1ba: {  	(erf) = vrcp.f32 v0;
	_ =	sdelay $0x8  }
0x1bb: {  	v0 =	vpop (erf)  }
0x1bc: {  	s3 =	simm.s32 $0x0;
	s4 =	simm.s32 $0xC080;
	s31 =	simm.s32 $0x3;
	[tilespmem:s7+$0xC080] =	vst v0  }
0x1bd: {  	[hbm4b:s2+s3] =	stream.linear.scatter [tilespmem:s4], [sflag:$0x3], $0x4000, $0x38;
	[tilespmem:$0x10080] =	vst v63  }
0x1be: {  	_ =	swait.ge [sflag:s31], $0x4000  }
0x1bf: {  	[sflag:s31] =	ssyncset.done $0x0  }
0x1c0: {  	[sflag:s31] =	ssyncadd.s32 $0xFFFFC000  }
.LBB2_6:
0x1c1: {  	_ =	sfence.sel $0x180000  }
0x1c2: {  	[bflag:$0x0] =	sbarrier.arrive $0xFFFF  }
0x1c3: {  	p0 =	sne.s32 s1, $0x0;
	_ =	strace $0x90000047  }
0x1c4: {  	s0 =	sadd.s32 @!p0 $0x100000, s0;
	[bflag:$0x2] =	sbarrier.arrive $0xFFFF  }
0x1c5: {  	[sflag:s0] =	ssyncadd.tile.s32 @!p0 $0x1;
	_ =	shalt  }
.Lfunc_end2:
_tile_overlayer_lowered:
.L_overlay_start_2:
0x1c6: {  	(tag) =	ssettag $0x2  }
0x1c7: {  	s0 =	rddreg [dreg:$0x0];
	s2 =	stileid.u32  }
0x1c8: {  	s1 =	rddreg [dreg:$0x1];
	p0 =	sne.s32 s2, $0x0  }
0x1c9: {  	s3 =	rddreg [dreg:$0x2];
	[bflag:$0x3] =	sbarrier.arrive $0xFFFF;
	s2 =	simm.s32 @!p0 $0x1C03  }
0x1ca: {  	[timem:s3], [sflag:s2] =	dma.local @!p0 [hbm:s0], s1  }
0x1cb: {  	s0 =	simm.s32 @!p0 $0x3  }
0x1cc: {  	_ =	swait.ge @!p0 [sflag:s0], s1  }
0x1cd: {  	s1 =	ssub.s32 @!p0 $0x0, s1;
	[sflag:s0] =	ssyncset.done @!p0 $0x0  }
0x1ce: {  	[sflag:s0] =	ssyncadd.s32 @!p0 s1  }
0x1cf: {  	[bflag:$0x3] =	sbarrier.arrive $0xFFFF  }
0x1d0: {  	_ =	shalt  }

</sc_bundles>
